<compile_context>
chip_gen: v7x
topology: tpu7x:2x2x1
jax: 0.10.2.dev20260603
libtpu: 0.0.44.dev20260713+nightly
codegen_flags: <defaults>
</compile_context>

<pallas_src>
import functools

import jax
import jax.numpy as jnp
from jax import lax
from jax.experimental import pallas as pl
from jax.experimental.pallas import tpu as pltpu
from jax.experimental.pallas import tpu_sc as plsc

B = 16384
N = 1000000
EMB = 32
W = 1024
LO_STEP = 62464
LO15 = 936448
NCH = 62
RANGE = NCH * W
TAIL0 = 999936
TAILW = 64
NBK = 63
BATCH = 112
TRASH = B


def _make_sc_sweep():
    mesh = plsc.VectorSubcoreMesh(core_axis_name="c", subcore_axis_name="s")

    @functools.partial(
        pl.kernel,
        out_type=[
            jax.ShapeDtypeStruct((B + 1, 128), jnp.float32),
            jax.ShapeDtypeStruct((B + 1, 128), jnp.float32),
        ],
        mesh=mesh,
        compiler_params=pltpu.CompilerParams(
            use_tc_tiling_on_sc=True, needs_layout_passes=False),
        scratch_types=[
            pltpu.VMEM((2048,), jnp.int32),
            pltpu.VMEM((B + 16,), jnp.int32),
            pltpu.VMEM((B + 16,), jnp.int32),
            pltpu.VMEM((32, W), jnp.float32),
            pltpu.VMEM((32, W), jnp.float32),
            pltpu.VMEM((32, TAILW), jnp.float32),
            pltpu.VMEM((128, 128), jnp.float32),
            pltpu.VMEM((128,), jnp.int32),
            pltpu.SMEM((NBK + 1,), jnp.int32),
            pltpu.SMEM((NBK + 1,), jnp.int32),
            pltpu.SemaphoreType.DMA,
            pltpu.SemaphoreType.DMA,
            pltpu.SemaphoreType.DMA,
        ],
    )
    def sc_sweep(uidx_hbm, iidx_hbm, utabT_hbm, itabT_hbm, uout_hbm, iout_hbm,
                 idxbuf, hits, shits, bufa, bufb, tailbuf, batch, posb,
                 offm, curm, sema, semb, semo):
        core = lax.axis_index("c")
        k = lax.axis_index("s")
        lo = jnp.where(k == 15, LO15, k * LO_STEP)
        claim = jnp.where(k == 15, RANGE + TAILW, RANGE)
        iota16 = lax.iota(jnp.int32, 16)
        lane0 = iota16 == 0

        def init_posb():
            def body(i, _):
                plsc.store_scatter(posb, [i * 16 + iota16],
                                   jnp.full((16,), TRASH, jnp.int32))
                return 0
            lax.fori_loop(0, 8, body, 0)

        def scan_indices(idx_hbm):
            def blk_body(blk, ptr):
                pltpu.sync_copy(idx_hbm.at[pl.ds(blk * 2048, 2048)], idxbuf)

                def vec_body(v, p):
                    vec = idxbuf[pl.ds(v * 16, 16)]
                    rel = vec - lo
                    m = (rel >= 0) & (rel < claim)
                    mi = m.astype(jnp.int32)
                    incl = plsc.cumsum(mi)
                    posv = blk * 2048 + v * 16 + iota16
                    packed = (rel << 14) | posv
                    plsc.store_scatter(hits, [p + incl - mi], packed, mask=m)
                    return p + incl[15]

                return lax.fori_loop(0, 128, vec_body, ptr)

            return lax.fori_loop(0, 8, blk_body, jnp.int32(0))

        def bucketize(nhits):
            def z_body(b, _):
                offm[b] = 0
                return 0
            lax.fori_loop(0, NBK + 1, z_body, 0)

            def cnt_body(j, _):
                h = hits[pl.ds(j, 16)][0]
                b = h >> 24
                offm[b] = offm[b] + 1
                return 0
            lax.fori_loop(0, nhits, cnt_body, 0)

            def pfx_body(b, tot):
                c = offm[b]
                offm[b] = tot
                curm[b] = tot
                return tot + c
            lax.fori_loop(0, NBK + 1, pfx_body, jnp.int32(0))

            def sct_body(j, _):
                h = hits[pl.ds(j, 16)][0]
                b = h >> 24
                o = curm[b]
                curm[b] = o + 1
                plsc.store_scatter(shits, [jnp.full((16,), o, jnp.int32)],
                                   jnp.full((16,), h, jnp.int32), mask=lane0)
                return 0
            lax.fori_loop(0, nhits, sct_body, 0)

        def process_segment(out_hbm, buf, rel_base, s0, s1, slot):
            def hit_body(j, slot):
                h = shits[pl.ds(j, 16)][0]
                x = (h >> 14) - rel_base
                xv = jnp.full((16,), x, jnp.int32)
                g1 = plsc.load_gather(buf, [iota16, xv])
                g2 = plsc.load_gather(buf, [iota16 + 16, xv])
                batch[slot, pl.ds(0, 16)] = g1
                batch[slot, pl.ds(16, 16)] = g2
                plsc.store_scatter(posb, [jnp.full((16,), slot, jnp.int32)],
                                   jnp.full((16,), h & 16383, jnp.int32),
                                   mask=lane0)
                slot = slot + 1

                @pl.when(slot == BATCH)
                def _():
                    pltpu.async_copy(batch, out_hbm.at[posb], semo).wait()

                return jnp.where(slot == BATCH, 0, slot)

            return lax.fori_loop(s0, s1, hit_body, slot)

        def run_table(idx_hbm, tabT_hbm, out_hbm):
            init_posb()
            nhits = scan_indices(idx_hbm)
            bucketize(nhits)

            def start(c, buf, sem):
                pltpu.async_copy(tabT_hbm.at[:, pl.ds(lo + c * W, W)], buf, sem)

            def wait(c, buf, sem):
                pltpu.make_async_copy(
                    tabT_hbm.at[:, pl.ds(lo + c * W, W)], buf, sem).wait()

            start(0, bufa, sema)

            def outer(cc, slot):
                for par, buf, sem, obuf, osem in (
                        (0, bufa, sema, bufb, semb),
                        (1, bufb, semb, bufa, sema)):
                    c = cc * 2 + par

                    @pl.when(c + 1 < NCH)
                    def _():
                        start(c + 1, obuf, osem)

                    wait(c, buf, sem)
                    slot = process_segment(out_hbm, buf, c * W,
                                           offm[c], offm[c + 1], slot)
                return slot

            slot = lax.fori_loop(0, NCH // 2, outer, jnp.int32(0))

            @pl.when(k == 15)
            def _():
                pltpu.sync_copy(tabT_hbm.at[:, pl.ds(TAIL0, TAILW)], tailbuf)

            slot = process_segment(out_hbm, tailbuf, RANGE,
                                   offm[NBK - 1], offm[NBK], slot)
            pltpu.async_copy(batch, out_hbm.at[posb], semo).wait()

        @pl.when(core == 0)
        def _():
            run_table(uidx_hbm, utabT_hbm, uout_hbm)

        @pl.when(core == 1)
        def _():
            run_table(iidx_hbm, itabT_hbm, iout_hbm)

    return sc_sweep


_sc_sweep = _make_sc_sweep()


_BLK = 2048


def _mlp_body(gu_ref, gi_ref, w1a_ref, w1b_ref, b1_ref,
              w2_ref, b2_ref, w3_ref, b3_ref, wo_ref, bo_ref, out_ref):
    u = gu_ref[:, :EMB]
    i = gi_ref[:, :EMB]
    h = u @ w1a_ref[...] + i @ w1b_ref[...] + b1_ref[...]
    h = jnp.maximum(h, 0.0)
    h = jnp.maximum(h @ w2_ref[...] + b2_ref[...], 0.0)
    h = jnp.maximum(h @ w3_ref[...] + b3_ref[...], 0.0)
    out_ref[...] = jnp.sum(h * wo_ref[...], axis=1) + bo_ref[0]


def _mlp(gu, gi, w1a, w1b, b1, w2t, b2, w3t, b3, wo, bo):
    grid = (B // _BLK,)
    full = lambda g: (0, 0)
    return pl.pallas_call(
        _mlp_body,
        grid=grid,
        in_specs=[
            pl.BlockSpec((_BLK, 128), lambda g: (g, 0)),
            pl.BlockSpec((_BLK, 128), lambda g: (g, 0)),
            pl.BlockSpec(w1a.shape, full),
            pl.BlockSpec(w1b.shape, full),
            pl.BlockSpec(b1.shape, full),
            pl.BlockSpec(w2t.shape, full),
            pl.BlockSpec(b2.shape, full),
            pl.BlockSpec(w3t.shape, full),
            pl.BlockSpec(b3.shape, full),
            pl.BlockSpec(wo.shape, full),
            pl.BlockSpec(bo.shape, lambda g: (0,)),
        ],
        out_specs=pl.BlockSpec((_BLK,), lambda g: (g,)),
        out_shape=jax.ShapeDtypeStruct((B,), jnp.float32),
    )(gu, gi, w1a, w1b, b1, w2t, b2, w3t, b3, wo, bo)


@jax.jit
def kernel(user_indices, item_indices, user_table, item_table,
           W1, b1, W2, b2, W3, b3, Wo, bo):
    uidx = user_indices.astype(jnp.int32)
    iidx = item_indices.astype(jnp.int32)
    gu, gi = _sc_sweep(uidx, iidx, user_table.T, item_table.T)
    w1a = W1[:, :EMB].T
    w1b = W1[:, EMB:].T
    out = _mlp(gu, gi, w1a, w1b, b1.reshape(1, -1),
               W2.T, b2.reshape(1, -1), W3.T, b3.reshape(1, -1),
               Wo, bo)
    return out

# --- scband reference (transcript-rebuilt; emitter-appended) ---
"""Pipeline reference for scband-neural-cf-31507880083621 (READ-ONLY COPY).

The authoritative reference and input builder live on the scoring server;
editing this copy changes nothing except your own understanding.
"""

import jax, jax.numpy as jnp
import numpy as np

B = 16384
N_USERS = 1000000
N_ITEMS = 1000000
EMB = 32


def setup_inputs(seed: int = 0) -> dict:
    key = jax.random.key(seed)
    ks = jax.random.split(key, 12)
    user_indices = jax.random.randint(ks[0], (B,), 0, N_USERS, dtype=jnp.int32).astype(jnp.int64)
    item_indices = jax.random.randint(ks[1], (B,), 0, N_ITEMS, dtype=jnp.int32).astype(jnp.int64)
    user_table = jax.random.normal(ks[2], (N_USERS, EMB), dtype=jnp.float32) * 0.01
    item_table = jax.random.normal(ks[3], (N_ITEMS, EMB), dtype=jnp.float32) * 0.01
    # MLP: 64 -> 64 -> 32 -> 16, output 16 -> 1 (xavier-ish init)
    W1 = jax.random.uniform(ks[4], (64, 64), dtype=jnp.float32, minval=-1, maxval=1) * np.sqrt(6.0 / (64 + 64))
    b1 = jnp.zeros((64,), dtype=jnp.float32)
    W2 = jax.random.uniform(ks[5], (32, 64), dtype=jnp.float32, minval=-1, maxval=1) * np.sqrt(6.0 / (64 + 32))
    b2 = jnp.zeros((32,), dtype=jnp.float32)
    W3 = jax.random.uniform(ks[6], (16, 32), dtype=jnp.float32, minval=-1, maxval=1) * np.sqrt(6.0 / (32 + 16))
    b3 = jnp.zeros((16,), dtype=jnp.float32)
    Wo = jax.random.uniform(ks[7], (1, 16), dtype=jnp.float32, minval=-1, maxval=1) * np.sqrt(6.0 / (16 + 1))
    bo = jnp.zeros((1,), dtype=jnp.float32)
    return {
        "user_indices": user_indices,
        "item_indices": item_indices,
        "user_table": user_table,
        "item_table": item_table,
        "W1": W1, "b1": b1,
        "W2": W2, "b2": b2,
        "W3": W3, "b3": b3,
        "Wo": Wo, "bo": bo,
    }


def reference(user_indices, item_indices, user_table, item_table,
              W1, b1, W2, b2, W3, b3, Wo, bo):
    # Embedding lookups (SparseCore gather)
    u = jnp.take(user_table, user_indices, axis=0)
    i = jnp.take(item_table, item_indices, axis=0)
    x = jnp.concatenate([u, i], axis=-1)
    # MLP (dropout is identity in eval mode)
    x = jax.nn.relu(x @ W1.T + b1)
    x = jax.nn.relu(x @ W2.T + b2)
    x = jax.nn.relu(x @ W3.T + b3)
    out = x @ Wo.T + bo
    return out.squeeze(-1)

if __name__ == "__main__":
    import jax
    _d = setup_inputs()
    print(jax.jit(kernel)(*tuple(_d.values())))

</pallas_src>

<mosaic_0001>
#map = affine_map<(d0, d1) -> (0)>
#map1 = affine_map<(d0, d1) -> (0, 0)>
module attributes {stable_mosaic.version = 14 : i64} {
  func.func @sc_sweep(%arg0: i32, %arg1: i32, %arg2: memref<16384xi32, #tpu.memory_space<hbm>>, %arg3: memref<16384xi32, #tpu.memory_space<hbm>>, %arg4: memref<32x1000000xf32, #tpu.memory_space<hbm>>, %arg5: memref<32x1000000xf32, #tpu.memory_space<hbm>>, %arg6: memref<16385x128xf32, #tpu.memory_space<hbm>>, %arg7: memref<16385x128xf32, #tpu.memory_space<hbm>>, %arg8: memref<2048xi32, #tpu.memory_space<vmem>>, %arg9: memref<16400xi32, #tpu.memory_space<vmem>>, %arg10: memref<16400xi32, #tpu.memory_space<vmem>>, %arg11: memref<32x1024xf32, #tpu.memory_space<vmem>>, %arg12: memref<32x1024xf32, #tpu.memory_space<vmem>>, %arg13: memref<32x64xf32, #tpu.memory_space<vmem>>, %arg14: memref<128x128xf32, #tpu.memory_space<vmem>>, %arg15: memref<128xi32, #tpu.memory_space<vmem>>, %arg16: memref<64xi32, #tpu.memory_space<smem>>, %arg17: memref<64xi32, #tpu.memory_space<smem>>, %arg18: memref<!tpu.dma_semaphore, #tpu.memory_space<semaphore_mem>>, %arg19: memref<!tpu.dma_semaphore, #tpu.memory_space<semaphore_mem>>, %arg20: memref<!tpu.dma_semaphore, #tpu.memory_space<semaphore_mem>>) attributes {dimension_semantics = [#tpu.dimension_semantics<core_parallel>, #tpu.dimension_semantics<subcore_parallel>], iteration_bounds = array<i64: 2, 16>, scalar_prefetch = 0 : i64, scratch_operands = 13 : i64, tpu.core_type = #tpu.core_type<sc_vector_subcore>, window_params = [{transform_indices = #map}, {transform_indices = #map}, {transform_indices = #map1}, {transform_indices = #map1}, {transform_indices = #map1}, {transform_indices = #map1}]} {
    %eq3A = arith.constant 15 : i32
    %eq3A_0 = arith.cmpi eq, %arg1, %eq3A : i32
    %mul3A = arith.constant 62464 : i32
    %mul3A_1 = arith.muli %arg1, %mul3A : i32
    %jit3A = arith.constant 936448 : i32
    %select_n3A = arith.select %eq3A_0, %jit3A, %mul3A_1 : i32
    %eq3A_2 = arith.constant 15 : i32
    %eq3A_3 = arith.cmpi eq, %arg1, %eq3A_2 : i32
    %jit3A_4 = arith.constant 63552 : i32
    %jit3A_5 = arith.constant 63488 : i32
    %select_n3A_6 = arith.select %eq3A_3, %jit3A_4, %jit3A_5 : i32
    %iota3A = tpu.iota {dimensions = array<i32: 0>} : vector<16xi32>
    %eq3A_7 = arith.constant 0 : i32
    %eq3A_8 = vector.broadcast %eq3A_7 : i32 to vector<16xi32>
    %eq3A_9 = arith.cmpi eq, %iota3A, %eq3A_8 : vector<16xi32>
    %eq3A_10 = arith.constant 0 : i32
    %eq3A_11 = arith.cmpi eq, %arg0, %eq3A_10 : i32
    %convert_element_type3A = arith.extui %eq3A_11 : i1 to i32
    %cond3A = arith.constant 0 : i32
    %cond3A_12 = arith.cmpi ne, %convert_element_type3A, %cond3A : i32
    scf.if %cond3A_12 {
      %scan3A = arith.constant 0 : i32
      %scan3A_18 = arith.constant 0 : i32
      %scan3A_19 = arith.constant 8 : i32
      %scan3A_20 = arith.addi %scan3A_18, %scan3A_19 : i32
      %scan3A_21 = arith.constant 1 : i32
      %scan3A_22 = scf.for %scan3A_104 = %scan3A_18 to %scan3A_20 step %scan3A_21 iter_args(%scan3A_105 = %scan3A) -> (i32)  : i32 {
        %mul3A_106 = arith.constant 16 : i32
        %mul3A_107 = arith.muli %scan3A_104, %mul3A_106 : i32
        %add3A_108 = vector.broadcast %mul3A_107 : i32 to vector<16xi32>
        %add3A_109 = arith.addi %add3A_108, %iota3A : vector<16xi32>
        %broadcast_in_dim3A = arith.constant 16384 : i32
        %broadcast_in_dim3A_110 = vector.broadcast %broadcast_in_dim3A : i32 to vector<16xi32>
        tpu.vector_store_idx %arg15[%add3A_109], %broadcast_in_dim3A_110 : memref<128xi32, #tpu.memory_space<vmem>>[vector<16xi32>], vector<16xi32>,
        %scan3A_111 = arith.constant 0 : i32
        scf.yield %scan3A_111 : i32
      }
      %scan3A_23 = arith.constant 8 : i32
      %scan3A_24 = arith.constant 0 : i32
      %scan3A_25 = arith.constant 0 : i32
      %scan3A_26 = arith.constant 8 : i32
      %scan3A_27 = arith.addi %scan3A_25, %scan3A_26 : i32
      %scan3A_28 = arith.constant 1 : i32
      %scan3A_29 = scf.for %scan3A_104 = %scan3A_25 to %scan3A_27 step %scan3A_28 iter_args(%scan3A_105 = %scan3A_24) -> (i32)  : i32 {
        %mul3A_106 = arith.constant 2048 : i32
        %mul3A_107 = arith.muli %scan3A_104, %mul3A_106 : i32
        "tpu.region"() ({
          %run_scoped3A = tpu.sem_alloc : memref<!tpu.dma_semaphore, #tpu.memory_space<semaphore_mem>>
          %dma_start3A_114 = tpu.memref_slice %arg2[%mul3A_107] : memref<16384xi32, #tpu.memory_space<hbm>> -> memref<2048xi32, #tpu.memory_space<hbm>>
          %dma_start3A_115 = tpu.memref_slice %arg2[%mul3A_107] : memref<16384xi32, #tpu.memory_space<hbm>> -> memref<2048xi32, #tpu.memory_space<hbm>>
          tpu.enqueue_dma source(%dma_start3A_115 : memref<2048xi32, #tpu.memory_space<hbm>>) target(%arg8 : memref<2048xi32, #tpu.memory_space<vmem>>) target_semaphore(%run_scoped3A : memref<!tpu.dma_semaphore, #tpu.memory_space<semaphore_mem>>)
          %dma_wait3A_116 = tpu.memref_slice %arg2[%mul3A_107] : memref<16384xi32, #tpu.memory_space<hbm>> -> memref<2048xi32, #tpu.memory_space<hbm>>
          %dma_wait3A_117 = tpu.memref_slice %arg2[%mul3A_107] : memref<16384xi32, #tpu.memory_space<hbm>> -> memref<2048xi32, #tpu.memory_space<hbm>>
          tpu.wait_dma2 semaphore(%run_scoped3A : memref<!tpu.dma_semaphore, #tpu.memory_space<semaphore_mem>>) src(%dma_wait3A_117 : memref<2048xi32, #tpu.memory_space<hbm>>) dst(%arg8 : memref<2048xi32, #tpu.memory_space<vmem>>)
          tpu.yield
        }) : () -> ()
        %scan3A_108 = arith.constant 0 : i32
        %scan3A_109 = arith.constant 128 : i32
        %scan3A_110 = arith.addi %scan3A_108, %scan3A_109 : i32
        %scan3A_111 = arith.constant 1 : i32
        %scan3A_112 = scf.for %scan3A_114 = %scan3A_108 to %scan3A_110 step %scan3A_111 iter_args(%scan3A_115 = %scan3A_105) -> (i32)  : i32 {
          %mul3A_116 = arith.constant 16 : i32
          %mul3A_117 = arith.muli %scan3A_114, %mul3A_116 : i32
          %get3A_118 = arith.index_cast %mul3A_117 : i32 to index
          %get3A_119 = tpu.vector_load %arg8[%get3A_118] {strides = array<i32>} : memref<2048xi32, #tpu.memory_space<vmem>>, vector<16xi32>,
          %sub3A = vector.broadcast %select_n3A : i32 to vector<16xi32>
          %sub3A_120 = arith.subi %get3A_119, %sub3A : vector<16xi32>
          %ge3A = arith.constant 0 : i32
          %ge3A_121 = vector.broadcast %ge3A : i32 to vector<16xi32>
          %ge3A_122 = arith.cmpi sge, %sub3A_120, %ge3A_121 : vector<16xi32>
          %lt3A = vector.broadcast %select_n3A_6 : i32 to vector<16xi32>
          %lt3A_123 = arith.cmpi slt, %sub3A_120, %lt3A : vector<16xi32>
          %and3A = arith.andi %ge3A_122, %lt3A_123 : vector<16xi1>
          %convert_element_type3A_124 = arith.extui %and3A : vector<16xi1> to vector<16xi32>
          %broadcast_in_dim3A = arith.constant true
          %broadcast_in_dim3A_125 = vector.broadcast %broadcast_in_dim3A : i1 to vector<16xi1>
          %masked_cumsum3A = tpu.scan <sum>, %convert_element_type3A_124 masked %broadcast_in_dim3A_125 : vector<16xi32>, vector<16xi1> -> vector<16xi32>
          %mul3A_126 = arith.constant 2048 : i32
          %mul3A_127 = arith.muli %scan3A_104, %mul3A_126 : i32
          %mul3A_128 = arith.constant 16 : i32
          %mul3A_129 = arith.muli %scan3A_114, %mul3A_128 : i32
          %add3A_130 = arith.addi %mul3A_127, %mul3A_129 : i32
          %add3A_131 = vector.broadcast %add3A_130 : i32 to vector<16xi32>
          %add3A_132 = arith.addi %add3A_131, %iota3A : vector<16xi32>
          %shift_left3A = arith.constant 14 : i32
          %shift_left3A_133 = vector.broadcast %shift_left3A : i32 to vector<16xi32>
          %shift_left3A_134 = arith.shli %sub3A_120, %shift_left3A_133 : vector<16xi32>
          %or3A = arith.ori %shift_left3A_134, %add3A_132 : vector<16xi32>
          %add3A_135 = vector.broadcast %scan3A_115 : i32 to vector<16xi32>
          %add3A_136 = arith.addi %add3A_135, %masked_cumsum3A : vector<16xi32>
          %sub3A_137 = arith.subi %add3A_136, %convert_element_type3A_124 : vector<16xi32>
          tpu.vector_store_idx %arg9[%sub3A_137], %or3A masked %and3A : memref<16400xi32, #tpu.memory_space<vmem>>[vector<16xi32>], vector<16xi32>, vector<16xi1>
          %slice3A = vector.extract_strided_slice %masked_cumsum3A {offsets = [15], sizes = [1], strides = [1]} : vector<16xi32> to vector<1xi32>
          %squeeze3A = vector.extract %slice3A[0] : i32 from vector<1xi32>
          %add3A_138 = arith.addi %scan3A_115, %squeeze3A : i32
          scf.yield %add3A_138 : i32
        }
        %scan3A_113 = arith.constant 128 : i32
        scf.yield %scan3A_112 : i32
      }
      %scan3A_30 = arith.constant 8 : i32
      %scan3A_31 = arith.constant 0 : i32
      %scan3A_32 = arith.constant 0 : i32
      %scan3A_33 = arith.constant 64 : i32
      %scan3A_34 = arith.addi %scan3A_32, %scan3A_33 : i32
      %scan3A_35 = arith.constant 1 : i32
      %scan3A_36 = scf.for %scan3A_104 = %scan3A_32 to %scan3A_34 step %scan3A_35 iter_args(%scan3A_105 = %scan3A_31) -> (i32)  : i32 {
        %swap3A = arith.constant 0 : i32
        %swap3A_106 = arith.index_cast %scan3A_104 : i32 to index
        %swap3A_107 = memref.load %arg16[%swap3A_106] : memref<64xi32, #tpu.memory_space<smem>>
        memref.store %swap3A, %arg16[%swap3A_106] : memref<64xi32, #tpu.memory_space<smem>>
        %scan3A_108 = arith.constant 0 : i32
        scf.yield %scan3A_108 : i32
      }
      %scan3A_37 = arith.constant 64 : i32
      %while3A = arith.constant 0 : i32
      %while3A_38 = arith.constant 0 : i32
      %while3A_39 = arith.subi %scan3A_29, %while3A : i32
      %while3A_40 = arith.addi %while3A, %while3A_39 : i32
      %while3A_41 = arith.constant 1 : i32
      %while3A_42 = arith.divsi %while3A_39, %while3A_41 : i32
      %while3A_43 = arith.muli %while3A_42, %while3A_41 : i32
      %while3A_44 = arith.addi %while3A, %while3A_43 : i32
      %while3A_45 = arith.constant 1 : i32
      %while3A_46 = scf.for %while3A_104 = %while3A to %while3A_44 step %while3A_45 iter_args(%while3A_105 = %while3A_38) -> (i32)  : i32 {
        %get3A_106 = arith.index_cast %while3A_104 : i32 to index
        %get3A_107 = tpu.vector_load %arg9[%get3A_106] {strides = array<i32>} : memref<16400xi32, #tpu.memory_space<vmem>>, vector<16xi32>,
        %slice3A = vector.extract_strided_slice %get3A_107 {offsets = [0], sizes = [1], strides = [1]} : vector<16xi32> to vector<1xi32>
        %squeeze3A = vector.extract %slice3A[0] : i32 from vector<1xi32>
        %shift_right_arithmetic3A = arith.constant 24 : i32
        %shift_right_arithmetic3A_108 = arith.shrsi %squeeze3A, %shift_right_arithmetic3A : i32
        %get3A_109 = arith.index_cast %shift_right_arithmetic3A_108 : i32 to index
        %get3A_110 = memref.load %arg16[%get3A_109] : memref<64xi32, #tpu.memory_space<smem>>
        %add3A_111 = arith.constant 1 : i32
        %add3A_112 = arith.addi %get3A_110, %add3A_111 : i32
        %swap3A = arith.index_cast %shift_right_arithmetic3A_108 : i32 to index
        %swap3A_113 = memref.load %arg16[%swap3A] : memref<64xi32, #tpu.memory_space<smem>>
        memref.store %add3A_112, %arg16[%swap3A] : memref<64xi32, #tpu.memory_space<smem>>
        %while3A_114 = arith.constant 0 : i32
        scf.yield %while3A_114 : i32
      }
      %while3A_47 = arith.constant 1 : i32
      %while3A_48 = scf.for %while3A_104 = %while3A_44 to %while3A_40 step %while3A_47 iter_args(%while3A_105 = %while3A_46) -> (i32)  : i32 {
        %get3A_106 = arith.index_cast %while3A_104 : i32 to index
        %get3A_107 = tpu.vector_load %arg9[%get3A_106] {strides = array<i32>} : memref<16400xi32, #tpu.memory_space<vmem>>, vector<16xi32>,
        %slice3A = vector.extract_strided_slice %get3A_107 {offsets = [0], sizes = [1], strides = [1]} : vector<16xi32> to vector<1xi32>
        %squeeze3A = vector.extract %slice3A[0] : i32 from vector<1xi32>
        %shift_right_arithmetic3A = arith.constant 24 : i32
        %shift_right_arithmetic3A_108 = arith.shrsi %squeeze3A, %shift_right_arithmetic3A : i32
        %get3A_109 = arith.index_cast %shift_right_arithmetic3A_108 : i32 to index
        %get3A_110 = memref.load %arg16[%get3A_109] : memref<64xi32, #tpu.memory_space<smem>>
        %add3A_111 = arith.constant 1 : i32
        %add3A_112 = arith.addi %get3A_110, %add3A_111 : i32
        %swap3A = arith.index_cast %shift_right_arithmetic3A_108 : i32 to index
        %swap3A_113 = memref.load %arg16[%swap3A] : memref<64xi32, #tpu.memory_space<smem>>
        memref.store %add3A_112, %arg16[%swap3A] : memref<64xi32, #tpu.memory_space<smem>>
        %while3A_114 = arith.constant 0 : i32
        scf.yield %while3A_114 : i32
      }
      %scan3A_49 = arith.constant 0 : i32
      %scan3A_50 = arith.constant 0 : i32
      %scan3A_51 = arith.constant 64 : i32
      %scan3A_52 = arith.addi %scan3A_50, %scan3A_51 : i32
      %scan3A_53 = arith.constant 1 : i32
      %scan3A_54 = scf.for %scan3A_104 = %scan3A_50 to %scan3A_52 step %scan3A_53 iter_args(%scan3A_105 = %scan3A_49) -> (i32)  : i32 {
        %get3A_106 = arith.index_cast %scan3A_104 : i32 to index
        %get3A_107 = memref.load %arg16[%get3A_106] : memref<64xi32, #tpu.memory_space<smem>>
        %swap3A = arith.index_cast %scan3A_104 : i32 to index
        %swap3A_108 = memref.load %arg16[%swap3A] : memref<64xi32, #tpu.memory_space<smem>>
        memref.store %scan3A_105, %arg16[%swap3A] : memref<64xi32, #tpu.memory_space<smem>>
        %swap3A_109 = arith.index_cast %scan3A_104 : i32 to index
        %swap3A_110 = memref.load %arg17[%swap3A_109] : memref<64xi32, #tpu.memory_space<smem>>
        memref.store %scan3A_105, %arg17[%swap3A_109] : memref<64xi32, #tpu.memory_space<smem>>
        %add3A_111 = arith.addi %scan3A_105, %get3A_107 : i32
        scf.yield %add3A_111 : i32
      }
      %scan3A_55 = arith.constant 64 : i32
      %while3A_56 = arith.constant 0 : i32
      %while3A_57 = arith.constant 0 : i32
      %while3A_58 = arith.subi %scan3A_29, %while3A_56 : i32
      %while3A_59 = arith.addi %while3A_56, %while3A_58 : i32
      %while3A_60 = arith.constant 1 : i32
      %while3A_61 = arith.divsi %while3A_58, %while3A_60 : i32
      %while3A_62 = arith.muli %while3A_61, %while3A_60 : i32
      %while3A_63 = arith.addi %while3A_56, %while3A_62 : i32
      %while3A_64 = arith.constant 1 : i32
      %while3A_65 = scf.for %while3A_104 = %while3A_56 to %while3A_63 step %while3A_64 iter_args(%while3A_105 = %while3A_57) -> (i32)  : i32 {
        %get3A_106 = arith.index_cast %while3A_104 : i32 to index
        %get3A_107 = tpu.vector_load %arg9[%get3A_106] {strides = array<i32>} : memref<16400xi32, #tpu.memory_space<vmem>>, vector<16xi32>,
        %slice3A = vector.extract_strided_slice %get3A_107 {offsets = [0], sizes = [1], strides = [1]} : vector<16xi32> to vector<1xi32>
        %squeeze3A = vector.extract %slice3A[0] : i32 from vector<1xi32>
        %shift_right_arithmetic3A = arith.constant 24 : i32
        %shift_right_arithmetic3A_108 = arith.shrsi %squeeze3A, %shift_right_arithmetic3A : i32
        %get3A_109 = arith.index_cast %shift_right_arithmetic3A_108 : i32 to index
        %get3A_110 = memref.load %arg17[%get3A_109] : memref<64xi32, #tpu.memory_space<smem>>
        %add3A_111 = arith.constant 1 : i32
        %add3A_112 = arith.addi %get3A_110, %add3A_111 : i32
        %swap3A = arith.index_cast %shift_right_arithmetic3A_108 : i32 to index
        %swap3A_113 = memref.load %arg17[%swap3A] : memref<64xi32, #tpu.memory_space<smem>>
        memref.store %add3A_112, %arg17[%swap3A] : memref<64xi32, #tpu.memory_space<smem>>
        %broadcast_in_dim3A = vector.broadcast %get3A_110 : i32 to vector<16xi32>
        %broadcast_in_dim3A_114 = vector.broadcast %squeeze3A : i32 to vector<16xi32>
        tpu.vector_store_idx %arg10[%broadcast_in_dim3A], %broadcast_in_dim3A_114 masked %eq3A_9 : memref<16400xi32, #tpu.memory_space<vmem>>[vector<16xi32>], vector<16xi32>, vector<16xi1>
        %while3A_115 = arith.constant 0 : i32
        scf.yield %while3A_115 : i32
      }
      %while3A_66 = arith.constant 1 : i32
      %while3A_67 = scf.for %while3A_104 = %while3A_63 to %while3A_59 step %while3A_66 iter_args(%while3A_105 = %while3A_65) -> (i32)  : i32 {
        %get3A_106 = arith.index_cast %while3A_104 : i32 to index
        %get3A_107 = tpu.vector_load %arg9[%get3A_106] {strides = array<i32>} : memref<16400xi32, #tpu.memory_space<vmem>>, vector<16xi32>,
        %slice3A = vector.extract_strided_slice %get3A_107 {offsets = [0], sizes = [1], strides = [1]} : vector<16xi32> to vector<1xi32>
        %squeeze3A = vector.extract %slice3A[0] : i32 from vector<1xi32>
        %shift_right_arithmetic3A = arith.constant 24 : i32
        %shift_right_arithmetic3A_108 = arith.shrsi %squeeze3A, %shift_right_arithmetic3A : i32
        %get3A_109 = arith.index_cast %shift_right_arithmetic3A_108 : i32 to index
        %get3A_110 = memref.load %arg17[%get3A_109] : memref<64xi32, #tpu.memory_space<smem>>
        %add3A_111 = arith.constant 1 : i32
        %add3A_112 = arith.addi %get3A_110, %add3A_111 : i32
        %swap3A = arith.index_cast %shift_right_arithmetic3A_108 : i32 to index
        %swap3A_113 = memref.load %arg17[%swap3A] : memref<64xi32, #tpu.memory_space<smem>>
        memref.store %add3A_112, %arg17[%swap3A] : memref<64xi32, #tpu.memory_space<smem>>
        %broadcast_in_dim3A = vector.broadcast %get3A_110 : i32 to vector<16xi32>
        %broadcast_in_dim3A_114 = vector.broadcast %squeeze3A : i32 to vector<16xi32>
        tpu.vector_store_idx %arg10[%broadcast_in_dim3A], %broadcast_in_dim3A_114 masked %eq3A_9 : memref<16400xi32, #tpu.memory_space<vmem>>[vector<16xi32>], vector<16xi32>, vector<16xi1>
        %while3A_115 = arith.constant 0 : i32
        scf.yield %while3A_115 : i32
      }
      %add3A = arith.constant 0 : i32
      %add3A_68 = arith.addi %select_n3A, %add3A : i32
      %dma_start3A = arith.constant 0 : i32
      %dma_start3A_69 = tpu.memref_slice %arg4[%dma_start3A, %add3A_68] : memref<32x1000000xf32, #tpu.memory_space<hbm>> -> memref<32x1024xf32, #tpu.memory_space<hbm>>
      %dma_start3A_70 = arith.constant 0 : i32
      %dma_start3A_71 = tpu.memref_slice %arg4[%dma_start3A_70, %add3A_68] : memref<32x1000000xf32, #tpu.memory_space<hbm>> -> memref<32x1024xf32, #tpu.memory_space<hbm>>
      tpu.enqueue_dma source(%dma_start3A_71 : memref<32x1024xf32, #tpu.memory_space<hbm>>) target(%arg11 : memref<32x1024xf32, #tpu.memory_space<vmem>>) target_semaphore(%arg18 : memref<!tpu.dma_semaphore, #tpu.memory_space<semaphore_mem>>)
      %scan3A_72 = arith.constant 0 : i32
      %scan3A_73 = arith.constant 0 : i32
      %scan3A_74 = arith.constant 31 : i32
      %scan3A_75 = arith.addi %scan3A_73, %scan3A_74 : i32
      %scan3A_76 = arith.constant 1 : i32
      %scan3A_77 = scf.for %scan3A_104 = %scan3A_73 to %scan3A_75 step %scan3A_76 iter_args(%scan3A_105 = %scan3A_72) -> (i32)  : i32 {
        %mul3A_106 = arith.constant 2 : i32
        %mul3A_107 = arith.muli %scan3A_104, %mul3A_106 : i32
        %add3A_108 = arith.constant 0 : i32
        %add3A_109 = arith.addi %mul3A_107, %add3A_108 : i32
        %add3A_110 = arith.constant 1 : i32
        %add3A_111 = arith.addi %add3A_109, %add3A_110 : i32
        %lt3A = arith.constant 62 : i32
        %lt3A_112 = arith.cmpi slt, %add3A_111, %lt3A : i32
        %convert_element_type3A_113 = arith.extui %lt3A_112 : i1 to i32
        %cond3A_114 = arith.constant 0 : i32
        %cond3A_115 = arith.cmpi ne, %convert_element_type3A_113, %cond3A_114 : i32
        scf.if %cond3A_115 {
          %add3A_177 = arith.constant 1 : i32
          %add3A_178 = arith.addi %add3A_109, %add3A_177 : i32
          %mul3A_179 = arith.constant 1024 : i32
          %mul3A_180 = arith.muli %add3A_178, %mul3A_179 : i32
          %add3A_181 = arith.addi %select_n3A, %mul3A_180 : i32
          %dma_start3A_182 = arith.constant 0 : i32
          %dma_start3A_183 = tpu.memref_slice %arg4[%dma_start3A_182, %add3A_181] : memref<32x1000000xf32, #tpu.memory_space<hbm>> -> memref<32x1024xf32, #tpu.memory_space<hbm>>
          %dma_start3A_184 = arith.constant 0 : i32
          %dma_start3A_185 = tpu.memref_slice %arg4[%dma_start3A_184, %add3A_181] : memref<32x1000000xf32, #tpu.memory_space<hbm>> -> memref<32x1024xf32, #tpu.memory_space<hbm>>
          tpu.enqueue_dma source(%dma_start3A_185 : memref<32x1024xf32, #tpu.memory_space<hbm>>) target(%arg12 : memref<32x1024xf32, #tpu.memory_space<vmem>>) target_semaphore(%arg19 : memref<!tpu.dma_semaphore, #tpu.memory_space<semaphore_mem>>)
        } else {
        }
        %mul3A_116 = arith.constant 1024 : i32
        %mul3A_117 = arith.muli %add3A_109, %mul3A_116 : i32
        %add3A_118 = arith.addi %select_n3A, %mul3A_117 : i32
        %dma_wait3A_119 = arith.constant 0 : i32
        %dma_wait3A_120 = tpu.memref_slice %arg4[%dma_wait3A_119, %add3A_118] : memref<32x1000000xf32, #tpu.memory_space<hbm>> -> memref<32x1024xf32, #tpu.memory_space<hbm>>
        %dma_wait3A_121 = arith.constant 0 : i32
        %dma_wait3A_122 = tpu.memref_slice %arg4[%dma_wait3A_121, %add3A_118] : memref<32x1000000xf32, #tpu.memory_space<hbm>> -> memref<32x1024xf32, #tpu.memory_space<hbm>>
        tpu.wait_dma2 semaphore(%arg18 : memref<!tpu.dma_semaphore, #tpu.memory_space<semaphore_mem>>) src(%dma_wait3A_122 : memref<32x1024xf32, #tpu.memory_space<hbm>>) dst(%arg11 : memref<32x1024xf32, #tpu.memory_space<vmem>>)
        %mul3A_123 = arith.constant 1024 : i32
        %mul3A_124 = arith.muli %add3A_109, %mul3A_123 : i32
        %get3A_125 = arith.index_cast %add3A_109 : i32 to index
        %get3A_126 = memref.load %arg16[%get3A_125] : memref<64xi32, #tpu.memory_space<smem>>
        %add3A_127 = arith.constant 1 : i32
        %add3A_128 = arith.addi %add3A_109, %add3A_127 : i32
        %get3A_129 = arith.index_cast %add3A_128 : i32 to index
        %get3A_130 = memref.load %arg16[%get3A_129] : memref<64xi32, #tpu.memory_space<smem>>
        %while3A_131 = arith.subi %get3A_130, %get3A_126 : i32
        %while3A_132 = arith.addi %get3A_126, %while3A_131 : i32
        %while3A_133 = arith.constant 1 : i32
        %while3A_134 = arith.divsi %while3A_131, %while3A_133 : i32
        %while3A_135 = arith.muli %while3A_134, %while3A_133 : i32
        %while3A_136 = arith.addi %get3A_126, %while3A_135 : i32
        %while3A_137 = arith.constant 1 : i32
        %while3A_138 = scf.for %while3A_177 = %get3A_126 to %while3A_136 step %while3A_137 iter_args(%while3A_178 = %scan3A_105) -> (i32)  : i32 {
          %get3A_179 = arith.index_cast %while3A_177 : i32 to index
          %get3A_180 = tpu.vector_load %arg10[%get3A_179] {strides = array<i32>} : memref<16400xi32, #tpu.memory_space<vmem>>, vector<16xi32>,
          %slice3A = vector.extract_strided_slice %get3A_180 {offsets = [0], sizes = [1], strides = [1]} : vector<16xi32> to vector<1xi32>
          %squeeze3A = vector.extract %slice3A[0] : i32 from vector<1xi32>
          %shift_right_arithmetic3A = arith.constant 14 : i32
          %shift_right_arithmetic3A_181 = arith.shrsi %squeeze3A, %shift_right_arithmetic3A : i32
          %sub3A = arith.subi %shift_right_arithmetic3A_181, %mul3A_124 : i32
          %broadcast_in_dim3A = vector.broadcast %sub3A : i32 to vector<16xi32>
          %gather3A = tpu.vector_load_idx %arg11[%iota3A, %broadcast_in_dim3A] : memref<32x1024xf32, #tpu.memory_space<vmem>>[vector<16xi32>, vector<16xi32>], vector<16xf32>,
          %add3A_182 = arith.constant 16 : i32
          %add3A_183 = vector.broadcast %add3A_182 : i32 to vector<16xi32>
          %add3A_184 = arith.addi %iota3A, %add3A_183 : vector<16xi32>
          %gather3A_185 = tpu.vector_load_idx %arg11[%add3A_184, %broadcast_in_dim3A] : memref<32x1024xf32, #tpu.memory_space<vmem>>[vector<16xi32>, vector<16xi32>], vector<16xf32>,
          %swap3A = arith.index_cast %while3A_178 : i32 to index
          %swap3A_186 = arith.constant 0 : index
          %swap3A_187 = tpu.vector_load %arg14[%swap3A, %swap3A_186] {strides = array<i32>} : memref<128x128xf32, #tpu.memory_space<vmem>>, vector<16xf32>,
          tpu.vector_store %arg14[%swap3A, %swap3A_186], %gather3A {strides = array<i32>} : memref<128x128xf32, #tpu.memory_space<vmem>>, vector<16xf32>,
          %swap3A_188 = arith.index_cast %while3A_178 : i32 to index
          %swap3A_189 = arith.constant 16 : index
          %swap3A_190 = tpu.vector_load %arg14[%swap3A_188, %swap3A_189] {strides = array<i32>} : memref<128x128xf32, #tpu.memory_space<vmem>>, vector<16xf32>,
          tpu.vector_store %arg14[%swap3A_188, %swap3A_189], %gather3A_185 {strides = array<i32>} : memref<128x128xf32, #tpu.memory_space<vmem>>, vector<16xf32>,
          %broadcast_in_dim3A_191 = vector.broadcast %while3A_178 : i32 to vector<16xi32>
          %and3A = arith.constant 16383 : i32
          %and3A_192 = arith.andi %squeeze3A, %and3A : i32
          %broadcast_in_dim3A_193 = vector.broadcast %and3A_192 : i32 to vector<16xi32>
          tpu.vector_store_idx %arg15[%broadcast_in_dim3A_191], %broadcast_in_dim3A_193 masked %eq3A_9 : memref<128xi32, #tpu.memory_space<vmem>>[vector<16xi32>], vector<16xi32>, vector<16xi1>
          %add3A_194 = arith.constant 1 : i32
          %add3A_195 = arith.addi %while3A_178, %add3A_194 : i32
          %eq3A_196 = arith.constant 112 : i32
          %eq3A_197 = arith.cmpi eq, %add3A_195, %eq3A_196 : i32
          %convert_element_type3A_198 = arith.extui %eq3A_197 : i1 to i32
          %cond3A_199 = arith.constant 0 : i32
          %cond3A_200 = arith.cmpi ne, %convert_element_type3A_198, %cond3A_199 : i32
          scf.if %cond3A_200 {
            %dma_start3A_205 = arith.constant 0 : i32
            %dma_start3A_206 = arith.constant 0 : i32
            %dma_start3A_207 = tpu.memref_slice %arg6[%dma_start3A_205, %dma_start3A_206] : memref<16385x128xf32, #tpu.memory_space<hbm>> -> memref<16385x128xf32, #tpu.memory_space<hbm>>
            tpu.enqueue_indirect_dma source(%arg14 : memref<128x128xf32, #tpu.memory_space<vmem>>) target(%dma_start3A_207 : memref<16385x128xf32, #tpu.memory_space<hbm>>) offsets(%arg15 : memref<128xi32, #tpu.memory_space<vmem>>) semaphore(%arg20 : memref<!tpu.dma_semaphore, #tpu.memory_space<semaphore_mem>>)
            %dma_wait3A_208 = arith.constant 0 : i32
            %dma_wait3A_209 = arith.constant 0 : i32
            %dma_wait3A_210 = tpu.memref_slice %arg6[%dma_wait3A_208, %dma_wait3A_209] : memref<16385x128xf32, #tpu.memory_space<hbm>> -> memref<16385x128xf32, #tpu.memory_space<hbm>>
            tpu.wait_indirect_dma semaphore(%arg20 : memref<!tpu.dma_semaphore, #tpu.memory_space<semaphore_mem>>) src(%arg14 : memref<128x128xf32, #tpu.memory_space<vmem>>) dst(%dma_wait3A_210 : memref<16385x128xf32, #tpu.memory_space<hbm>>)
          } else {
          }
          %eq3A_201 = arith.constant 112 : i32
          %eq3A_202 = arith.cmpi eq, %add3A_195, %eq3A_201 : i32
          %jit3A_203 = arith.constant 0 : i32
          %select_n3A_204 = arith.select %eq3A_202, %jit3A_203, %add3A_195 : i32
          scf.yield %select_n3A_204 : i32
        }
        %while3A_139 = arith.constant 1 : i32
        %while3A_140 = scf.for %while3A_177 = %while3A_136 to %while3A_132 step %while3A_139 iter_args(%while3A_178 = %while3A_138) -> (i32)  : i32 {
          %get3A_179 = arith.index_cast %while3A_177 : i32 to index
          %get3A_180 = tpu.vector_load %arg10[%get3A_179] {strides = array<i32>} : memref<16400xi32, #tpu.memory_space<vmem>>, vector<16xi32>,
          %slice3A = vector.extract_strided_slice %get3A_180 {offsets = [0], sizes = [1], strides = [1]} : vector<16xi32> to vector<1xi32>
          %squeeze3A = vector.extract %slice3A[0] : i32 from vector<1xi32>
          %shift_right_arithmetic3A = arith.constant 14 : i32
          %shift_right_arithmetic3A_181 = arith.shrsi %squeeze3A, %shift_right_arithmetic3A : i32
          %sub3A = arith.subi %shift_right_arithmetic3A_181, %mul3A_124 : i32
          %broadcast_in_dim3A = vector.broadcast %sub3A : i32 to vector<16xi32>
          %gather3A = tpu.vector_load_idx %arg11[%iota3A, %broadcast_in_dim3A] : memref<32x1024xf32, #tpu.memory_space<vmem>>[vector<16xi32>, vector<16xi32>], vector<16xf32>,
          %add3A_182 = arith.constant 16 : i32
          %add3A_183 = vector.broadcast %add3A_182 : i32 to vector<16xi32>
          %add3A_184 = arith.addi %iota3A, %add3A_183 : vector<16xi32>
          %gather3A_185 = tpu.vector_load_idx %arg11[%add3A_184, %broadcast_in_dim3A] : memref<32x1024xf32, #tpu.memory_space<vmem>>[vector<16xi32>, vector<16xi32>], vector<16xf32>,
          %swap3A = arith.index_cast %while3A_178 : i32 to index
          %swap3A_186 = arith.constant 0 : index
          %swap3A_187 = tpu.vector_load %arg14[%swap3A, %swap3A_186] {strides = array<i32>} : memref<128x128xf32, #tpu.memory_space<vmem>>, vector<16xf32>,
          tpu.vector_store %arg14[%swap3A, %swap3A_186], %gather3A {strides = array<i32>} : memref<128x128xf32, #tpu.memory_space<vmem>>, vector<16xf32>,
          %swap3A_188 = arith.index_cast %while3A_178 : i32 to index
          %swap3A_189 = arith.constant 16 : index
          %swap3A_190 = tpu.vector_load %arg14[%swap3A_188, %swap3A_189] {strides = array<i32>} : memref<128x128xf32, #tpu.memory_space<vmem>>, vector<16xf32>,
          tpu.vector_store %arg14[%swap3A_188, %swap3A_189], %gather3A_185 {strides = array<i32>} : memref<128x128xf32, #tpu.memory_space<vmem>>, vector<16xf32>,
          %broadcast_in_dim3A_191 = vector.broadcast %while3A_178 : i32 to vector<16xi32>
          %and3A = arith.constant 16383 : i32
          %and3A_192 = arith.andi %squeeze3A, %and3A : i32
          %broadcast_in_dim3A_193 = vector.broadcast %and3A_192 : i32 to vector<16xi32>
          tpu.vector_store_idx %arg15[%broadcast_in_dim3A_191], %broadcast_in_dim3A_193 masked %eq3A_9 : memref<128xi32, #tpu.memory_space<vmem>>[vector<16xi32>], vector<16xi32>, vector<16xi1>
          %add3A_194 = arith.constant 1 : i32
          %add3A_195 = arith.addi %while3A_178, %add3A_194 : i32
          %eq3A_196 = arith.constant 112 : i32
          %eq3A_197 = arith.cmpi eq, %add3A_195, %eq3A_196 : i32
          %convert_element_type3A_198 = arith.extui %eq3A_197 : i1 to i32
          %cond3A_199 = arith.constant 0 : i32
          %cond3A_200 = arith.cmpi ne, %convert_element_type3A_198, %cond3A_199 : i32
          scf.if %cond3A_200 {
            %dma_start3A_205 = arith.constant 0 : i32
            %dma_start3A_206 = arith.constant 0 : i32
            %dma_start3A_207 = tpu.memref_slice %arg6[%dma_start3A_205, %dma_start3A_206] : memref<16385x128xf32, #tpu.memory_space<hbm>> -> memref<16385x128xf32, #tpu.memory_space<hbm>>
            tpu.enqueue_indirect_dma source(%arg14 : memref<128x128xf32, #tpu.memory_space<vmem>>) target(%dma_start3A_207 : memref<16385x128xf32, #tpu.memory_space<hbm>>) offsets(%arg15 : memref<128xi32, #tpu.memory_space<vmem>>) semaphore(%arg20 : memref<!tpu.dma_semaphore, #tpu.memory_space<semaphore_mem>>)
            %dma_wait3A_208 = arith.constant 0 : i32
            %dma_wait3A_209 = arith.constant 0 : i32
            %dma_wait3A_210 = tpu.memref_slice %arg6[%dma_wait3A_208, %dma_wait3A_209] : memref<16385x128xf32, #tpu.memory_space<hbm>> -> memref<16385x128xf32, #tpu.memory_space<hbm>>
            tpu.wait_indirect_dma semaphore(%arg20 : memref<!tpu.dma_semaphore, #tpu.memory_space<semaphore_mem>>) src(%arg14 : memref<128x128xf32, #tpu.memory_space<vmem>>) dst(%dma_wait3A_210 : memref<16385x128xf32, #tpu.memory_space<hbm>>)
          } else {
          }
          %eq3A_201 = arith.constant 112 : i32
          %eq3A_202 = arith.cmpi eq, %add3A_195, %eq3A_201 : i32
          %jit3A_203 = arith.constant 0 : i32
          %select_n3A_204 = arith.select %eq3A_202, %jit3A_203, %add3A_195 : i32
          scf.yield %select_n3A_204 : i32
        }
        %mul3A_141 = arith.constant 2 : i32
        %mul3A_142 = arith.muli %scan3A_104, %mul3A_141 : i32
        %add3A_143 = arith.constant 1 : i32
        %add3A_144 = arith.addi %mul3A_142, %add3A_143 : i32
        %add3A_145 = arith.constant 1 : i32
        %add3A_146 = arith.addi %add3A_144, %add3A_145 : i32
        %lt3A_147 = arith.constant 62 : i32
        %lt3A_148 = arith.cmpi slt, %add3A_146, %lt3A_147 : i32
        %convert_element_type3A_149 = arith.extui %lt3A_148 : i1 to i32
        %cond3A_150 = arith.constant 0 : i32
        %cond3A_151 = arith.cmpi ne, %convert_element_type3A_149, %cond3A_150 : i32
        scf.if %cond3A_151 {
          %add3A_177 = arith.constant 1 : i32
          %add3A_178 = arith.addi %add3A_144, %add3A_177 : i32
          %mul3A_179 = arith.constant 1024 : i32
          %mul3A_180 = arith.muli %add3A_178, %mul3A_179 : i32
          %add3A_181 = arith.addi %select_n3A, %mul3A_180 : i32
          %dma_start3A_182 = arith.constant 0 : i32
          %dma_start3A_183 = tpu.memref_slice %arg4[%dma_start3A_182, %add3A_181] : memref<32x1000000xf32, #tpu.memory_space<hbm>> -> memref<32x1024xf32, #tpu.memory_space<hbm>>
          %dma_start3A_184 = arith.constant 0 : i32
          %dma_start3A_185 = tpu.memref_slice %arg4[%dma_start3A_184, %add3A_181] : memref<32x1000000xf32, #tpu.memory_space<hbm>> -> memref<32x1024xf32, #tpu.memory_space<hbm>>
          tpu.enqueue_dma source(%dma_start3A_185 : memref<32x1024xf32, #tpu.memory_space<hbm>>) target(%arg11 : memref<32x1024xf32, #tpu.memory_space<vmem>>) target_semaphore(%arg18 : memref<!tpu.dma_semaphore, #tpu.memory_space<semaphore_mem>>)
        } else {
        }
        %mul3A_152 = arith.constant 1024 : i32
        %mul3A_153 = arith.muli %add3A_144, %mul3A_152 : i32
        %add3A_154 = arith.addi %select_n3A, %mul3A_153 : i32
        %dma_wait3A_155 = arith.constant 0 : i32
        %dma_wait3A_156 = tpu.memref_slice %arg4[%dma_wait3A_155, %add3A_154] : memref<32x1000000xf32, #tpu.memory_space<hbm>> -> memref<32x1024xf32, #tpu.memory_space<hbm>>
        %dma_wait3A_157 = arith.constant 0 : i32
        %dma_wait3A_158 = tpu.memref_slice %arg4[%dma_wait3A_157, %add3A_154] : memref<32x1000000xf32, #tpu.memory_space<hbm>> -> memref<32x1024xf32, #tpu.memory_space<hbm>>
        tpu.wait_dma2 semaphore(%arg19 : memref<!tpu.dma_semaphore, #tpu.memory_space<semaphore_mem>>) src(%dma_wait3A_158 : memref<32x1024xf32, #tpu.memory_space<hbm>>) dst(%arg12 : memref<32x1024xf32, #tpu.memory_space<vmem>>)
        %mul3A_159 = arith.constant 1024 : i32
        %mul3A_160 = arith.muli %add3A_144, %mul3A_159 : i32
        %get3A_161 = arith.index_cast %add3A_144 : i32 to index
        %get3A_162 = memref.load %arg16[%get3A_161] : memref<64xi32, #tpu.memory_space<smem>>
        %add3A_163 = arith.constant 1 : i32
        %add3A_164 = arith.addi %add3A_144, %add3A_163 : i32
        %get3A_165 = arith.index_cast %add3A_164 : i32 to index
        %get3A_166 = memref.load %arg16[%get3A_165] : memref<64xi32, #tpu.memory_space<smem>>
        %while3A_167 = arith.subi %get3A_166, %get3A_162 : i32
        %while3A_168 = arith.addi %get3A_162, %while3A_167 : i32
        %while3A_169 = arith.constant 1 : i32
        %while3A_170 = arith.divsi %while3A_167, %while3A_169 : i32
        %while3A_171 = arith.muli %while3A_170, %while3A_169 : i32
        %while3A_172 = arith.addi %get3A_162, %while3A_171 : i32
        %while3A_173 = arith.constant 1 : i32
        %while3A_174 = scf.for %while3A_177 = %get3A_162 to %while3A_172 step %while3A_173 iter_args(%while3A_178 = %while3A_140) -> (i32)  : i32 {
          %get3A_179 = arith.index_cast %while3A_177 : i32 to index
          %get3A_180 = tpu.vector_load %arg10[%get3A_179] {strides = array<i32>} : memref<16400xi32, #tpu.memory_space<vmem>>, vector<16xi32>,
          %slice3A = vector.extract_strided_slice %get3A_180 {offsets = [0], sizes = [1], strides = [1]} : vector<16xi32> to vector<1xi32>
          %squeeze3A = vector.extract %slice3A[0] : i32 from vector<1xi32>
          %shift_right_arithmetic3A = arith.constant 14 : i32
          %shift_right_arithmetic3A_181 = arith.shrsi %squeeze3A, %shift_right_arithmetic3A : i32
          %sub3A = arith.subi %shift_right_arithmetic3A_181, %mul3A_160 : i32
          %broadcast_in_dim3A = vector.broadcast %sub3A : i32 to vector<16xi32>
          %gather3A = tpu.vector_load_idx %arg12[%iota3A, %broadcast_in_dim3A] : memref<32x1024xf32, #tpu.memory_space<vmem>>[vector<16xi32>, vector<16xi32>], vector<16xf32>,
          %add3A_182 = arith.constant 16 : i32
          %add3A_183 = vector.broadcast %add3A_182 : i32 to vector<16xi32>
          %add3A_184 = arith.addi %iota3A, %add3A_183 : vector<16xi32>
          %gather3A_185 = tpu.vector_load_idx %arg12[%add3A_184, %broadcast_in_dim3A] : memref<32x1024xf32, #tpu.memory_space<vmem>>[vector<16xi32>, vector<16xi32>], vector<16xf32>,
          %swap3A = arith.index_cast %while3A_178 : i32 to index
          %swap3A_186 = arith.constant 0 : index
          %swap3A_187 = tpu.vector_load %arg14[%swap3A, %swap3A_186] {strides = array<i32>} : memref<128x128xf32, #tpu.memory_space<vmem>>, vector<16xf32>,
          tpu.vector_store %arg14[%swap3A, %swap3A_186], %gather3A {strides = array<i32>} : memref<128x128xf32, #tpu.memory_space<vmem>>, vector<16xf32>,
          %swap3A_188 = arith.index_cast %while3A_178 : i32 to index
          %swap3A_189 = arith.constant 16 : index
          %swap3A_190 = tpu.vector_load %arg14[%swap3A_188, %swap3A_189] {strides = array<i32>} : memref<128x128xf32, #tpu.memory_space<vmem>>, vector<16xf32>,
          tpu.vector_store %arg14[%swap3A_188, %swap3A_189], %gather3A_185 {strides = array<i32>} : memref<128x128xf32, #tpu.memory_space<vmem>>, vector<16xf32>,
          %broadcast_in_dim3A_191 = vector.broadcast %while3A_178 : i32 to vector<16xi32>
          %and3A = arith.constant 16383 : i32
          %and3A_192 = arith.andi %squeeze3A, %and3A : i32
          %broadcast_in_dim3A_193 = vector.broadcast %and3A_192 : i32 to vector<16xi32>
          tpu.vector_store_idx %arg15[%broadcast_in_dim3A_191], %broadcast_in_dim3A_193 masked %eq3A_9 : memref<128xi32, #tpu.memory_space<vmem>>[vector<16xi32>], vector<16xi32>, vector<16xi1>
          %add3A_194 = arith.constant 1 : i32
          %add3A_195 = arith.addi %while3A_178, %add3A_194 : i32
          %eq3A_196 = arith.constant 112 : i32
          %eq3A_197 = arith.cmpi eq, %add3A_195, %eq3A_196 : i32
          %convert_element_type3A_198 = arith.extui %eq3A_197 : i1 to i32
          %cond3A_199 = arith.constant 0 : i32
          %cond3A_200 = arith.cmpi ne, %convert_element_type3A_198, %cond3A_199 : i32
          scf.if %cond3A_200 {
            %dma_start3A_205 = arith.constant 0 : i32
            %dma_start3A_206 = arith.constant 0 : i32
            %dma_start3A_207 = tpu.memref_slice %arg6[%dma_start3A_205, %dma_start3A_206] : memref<16385x128xf32, #tpu.memory_space<hbm>> -> memref<16385x128xf32, #tpu.memory_space<hbm>>
            tpu.enqueue_indirect_dma source(%arg14 : memref<128x128xf32, #tpu.memory_space<vmem>>) target(%dma_start3A_207 : memref<16385x128xf32, #tpu.memory_space<hbm>>) offsets(%arg15 : memref<128xi32, #tpu.memory_space<vmem>>) semaphore(%arg20 : memref<!tpu.dma_semaphore, #tpu.memory_space<semaphore_mem>>)
            %dma_wait3A_208 = arith.constant 0 : i32
            %dma_wait3A_209 = arith.constant 0 : i32
            %dma_wait3A_210 = tpu.memref_slice %arg6[%dma_wait3A_208, %dma_wait3A_209] : memref<16385x128xf32, #tpu.memory_space<hbm>> -> memref<16385x128xf32, #tpu.memory_space<hbm>>
            tpu.wait_indirect_dma semaphore(%arg20 : memref<!tpu.dma_semaphore, #tpu.memory_space<semaphore_mem>>) src(%arg14 : memref<128x128xf32, #tpu.memory_space<vmem>>) dst(%dma_wait3A_210 : memref<16385x128xf32, #tpu.memory_space<hbm>>)
          } else {
          }
          %eq3A_201 = arith.constant 112 : i32
          %eq3A_202 = arith.cmpi eq, %add3A_195, %eq3A_201 : i32
          %jit3A_203 = arith.constant 0 : i32
          %select_n3A_204 = arith.select %eq3A_202, %jit3A_203, %add3A_195 : i32
          scf.yield %select_n3A_204 : i32
        }
        %while3A_175 = arith.constant 1 : i32
        %while3A_176 = scf.for %while3A_177 = %while3A_172 to %while3A_168 step %while3A_175 iter_args(%while3A_178 = %while3A_174) -> (i32)  : i32 {
          %get3A_179 = arith.index_cast %while3A_177 : i32 to index
          %get3A_180 = tpu.vector_load %arg10[%get3A_179] {strides = array<i32>} : memref<16400xi32, #tpu.memory_space<vmem>>, vector<16xi32>,
          %slice3A = vector.extract_strided_slice %get3A_180 {offsets = [0], sizes = [1], strides = [1]} : vector<16xi32> to vector<1xi32>
          %squeeze3A = vector.extract %slice3A[0] : i32 from vector<1xi32>
          %shift_right_arithmetic3A = arith.constant 14 : i32
          %shift_right_arithmetic3A_181 = arith.shrsi %squeeze3A, %shift_right_arithmetic3A : i32
          %sub3A = arith.subi %shift_right_arithmetic3A_181, %mul3A_160 : i32
          %broadcast_in_dim3A = vector.broadcast %sub3A : i32 to vector<16xi32>
          %gather3A = tpu.vector_load_idx %arg12[%iota3A, %broadcast_in_dim3A] : memref<32x1024xf32, #tpu.memory_space<vmem>>[vector<16xi32>, vector<16xi32>], vector<16xf32>,
          %add3A_182 = arith.constant 16 : i32
          %add3A_183 = vector.broadcast %add3A_182 : i32 to vector<16xi32>
          %add3A_184 = arith.addi %iota3A, %add3A_183 : vector<16xi32>
          %gather3A_185 = tpu.vector_load_idx %arg12[%add3A_184, %broadcast_in_dim3A] : memref<32x1024xf32, #tpu.memory_space<vmem>>[vector<16xi32>, vector<16xi32>], vector<16xf32>,
          %swap3A = arith.index_cast %while3A_178 : i32 to index
          %swap3A_186 = arith.constant 0 : index
          %swap3A_187 = tpu.vector_load %arg14[%swap3A, %swap3A_186] {strides = array<i32>} : memref<128x128xf32, #tpu.memory_space<vmem>>, vector<16xf32>,
          tpu.vector_store %arg14[%swap3A, %swap3A_186], %gather3A {strides = array<i32>} : memref<128x128xf32, #tpu.memory_space<vmem>>, vector<16xf32>,
          %swap3A_188 = arith.index_cast %while3A_178 : i32 to index
          %swap3A_189 = arith.constant 16 : index
          %swap3A_190 = tpu.vector_load %arg14[%swap3A_188, %swap3A_189] {strides = array<i32>} : memref<128x128xf32, #tpu.memory_space<vmem>>, vector<16xf32>,
          tpu.vector_store %arg14[%swap3A_188, %swap3A_189], %gather3A_185 {strides = array<i32>} : memref<128x128xf32, #tpu.memory_space<vmem>>, vector<16xf32>,
          %broadcast_in_dim3A_191 = vector.broadcast %while3A_178 : i32 to vector<16xi32>
          %and3A = arith.constant 16383 : i32
          %and3A_192 = arith.andi %squeeze3A, %and3A : i32
          %broadcast_in_dim3A_193 = vector.broadcast %and3A_192 : i32 to vector<16xi32>
          tpu.vector_store_idx %arg15[%broadcast_in_dim3A_191], %broadcast_in_dim3A_193 masked %eq3A_9 : memref<128xi32, #tpu.memory_space<vmem>>[vector<16xi32>], vector<16xi32>, vector<16xi1>
          %add3A_194 = arith.constant 1 : i32
          %add3A_195 = arith.addi %while3A_178, %add3A_194 : i32
          %eq3A_196 = arith.constant 112 : i32
          %eq3A_197 = arith.cmpi eq, %add3A_195, %eq3A_196 : i32
          %convert_element_type3A_198 = arith.extui %eq3A_197 : i1 to i32
          %cond3A_199 = arith.constant 0 : i32
          %cond3A_200 = arith.cmpi ne, %convert_element_type3A_198, %cond3A_199 : i32
          scf.if %cond3A_200 {
            %dma_start3A_205 = arith.constant 0 : i32
            %dma_start3A_206 = arith.constant 0 : i32
            %dma_start3A_207 = tpu.memref_slice %arg6[%dma_start3A_205, %dma_start3A_206] : memref<16385x128xf32, #tpu.memory_space<hbm>> -> memref<16385x128xf32, #tpu.memory_space<hbm>>
            tpu.enqueue_indirect_dma source(%arg14 : memref<128x128xf32, #tpu.memory_space<vmem>>) target(%dma_start3A_207 : memref<16385x128xf32, #tpu.memory_space<hbm>>) offsets(%arg15 : memref<128xi32, #tpu.memory_space<vmem>>) semaphore(%arg20 : memref<!tpu.dma_semaphore, #tpu.memory_space<semaphore_mem>>)
            %dma_wait3A_208 = arith.constant 0 : i32
            %dma_wait3A_209 = arith.constant 0 : i32
            %dma_wait3A_210 = tpu.memref_slice %arg6[%dma_wait3A_208, %dma_wait3A_209] : memref<16385x128xf32, #tpu.memory_space<hbm>> -> memref<16385x128xf32, #tpu.memory_space<hbm>>
            tpu.wait_indirect_dma semaphore(%arg20 : memref<!tpu.dma_semaphore, #tpu.memory_space<semaphore_mem>>) src(%arg14 : memref<128x128xf32, #tpu.memory_space<vmem>>) dst(%dma_wait3A_210 : memref<16385x128xf32, #tpu.memory_space<hbm>>)
          } else {
          }
          %eq3A_201 = arith.constant 112 : i32
          %eq3A_202 = arith.cmpi eq, %add3A_195, %eq3A_201 : i32
          %jit3A_203 = arith.constant 0 : i32
          %select_n3A_204 = arith.select %eq3A_202, %jit3A_203, %add3A_195 : i32
          scf.yield %select_n3A_204 : i32
        }
        scf.yield %while3A_176 : i32
      }
      %scan3A_78 = arith.constant 31 : i32
      %eq3A_79 = arith.constant 15 : i32
      %eq3A_80 = arith.cmpi eq, %arg1, %eq3A_79 : i32
      %convert_element_type3A_81 = arith.extui %eq3A_80 : i1 to i32
      %cond3A_82 = arith.constant 0 : i32
      %cond3A_83 = arith.cmpi ne, %convert_element_type3A_81, %cond3A_82 : i32
      scf.if %cond3A_83 {
        "tpu.region"() ({
          %run_scoped3A = tpu.sem_alloc : memref<!tpu.dma_semaphore, #tpu.memory_space<semaphore_mem>>
          %dma_start3A_104 = arith.constant 0 : i32
          %dma_start3A_105 = arith.constant 999936 : i32
          %dma_start3A_106 = tpu.memref_slice %arg4[%dma_start3A_104, %dma_start3A_105] : memref<32x1000000xf32, #tpu.memory_space<hbm>> -> memref<32x64xf32, #tpu.memory_space<hbm>>
          %dma_start3A_107 = arith.constant 0 : i32
          %dma_start3A_108 = arith.constant 999936 : i32
          %dma_start3A_109 = tpu.memref_slice %arg4[%dma_start3A_107, %dma_start3A_108] : memref<32x1000000xf32, #tpu.memory_space<hbm>> -> memref<32x64xf32, #tpu.memory_space<hbm>>
          tpu.enqueue_dma source(%dma_start3A_109 : memref<32x64xf32, #tpu.memory_space<hbm>>) target(%arg13 : memref<32x64xf32, #tpu.memory_space<vmem>>) target_semaphore(%run_scoped3A : memref<!tpu.dma_semaphore, #tpu.memory_space<semaphore_mem>>)
          %dma_wait3A_110 = arith.constant 0 : i32
          %dma_wait3A_111 = arith.constant 999936 : i32
          %dma_wait3A_112 = tpu.memref_slice %arg4[%dma_wait3A_110, %dma_wait3A_111] : memref<32x1000000xf32, #tpu.memory_space<hbm>> -> memref<32x64xf32, #tpu.memory_space<hbm>>
          %dma_wait3A_113 = arith.constant 0 : i32
          %dma_wait3A_114 = arith.constant 999936 : i32
          %dma_wait3A_115 = tpu.memref_slice %arg4[%dma_wait3A_113, %dma_wait3A_114] : memref<32x1000000xf32, #tpu.memory_space<hbm>> -> memref<32x64xf32, #tpu.memory_space<hbm>>
          tpu.wait_dma2 semaphore(%run_scoped3A : memref<!tpu.dma_semaphore, #tpu.memory_space<semaphore_mem>>) src(%dma_wait3A_115 : memref<32x64xf32, #tpu.memory_space<hbm>>) dst(%arg13 : memref<32x64xf32, #tpu.memory_space<vmem>>)
          tpu.yield
        }) : () -> ()
      } else {
      }
      %get3A = arith.constant 62 : i32
      %get3A_84 = arith.index_cast %get3A : i32 to index
      %get3A_85 = memref.load %arg16[%get3A_84] : memref<64xi32, #tpu.memory_space<smem>>
      %get3A_86 = arith.constant 63 : i32
      %get3A_87 = arith.index_cast %get3A_86 : i32 to index
      %get3A_88 = memref.load %arg16[%get3A_87] : memref<64xi32, #tpu.memory_space<smem>>
      %while3A_89 = arith.subi %get3A_88, %get3A_85 : i32
      %while3A_90 = arith.addi %get3A_85, %while3A_89 : i32
      %while3A_91 = arith.constant 1 : i32
      %while3A_92 = arith.divsi %while3A_89, %while3A_91 : i32
      %while3A_93 = arith.muli %while3A_92, %while3A_91 : i32
      %while3A_94 = arith.addi %get3A_85, %while3A_93 : i32
      %while3A_95 = arith.constant 1 : i32
      %while3A_96 = scf.for %while3A_104 = %get3A_85 to %while3A_94 step %while3A_95 iter_args(%while3A_105 = %scan3A_77) -> (i32)  : i32 {
        %get3A_106 = arith.index_cast %while3A_104 : i32 to index
        %get3A_107 = tpu.vector_load %arg10[%get3A_106] {strides = array<i32>} : memref<16400xi32, #tpu.memory_space<vmem>>, vector<16xi32>,
        %slice3A = vector.extract_strided_slice %get3A_107 {offsets = [0], sizes = [1], strides = [1]} : vector<16xi32> to vector<1xi32>
        %squeeze3A = vector.extract %slice3A[0] : i32 from vector<1xi32>
        %shift_right_arithmetic3A = arith.constant 14 : i32
        %shift_right_arithmetic3A_108 = arith.shrsi %squeeze3A, %shift_right_arithmetic3A : i32
        %sub3A = arith.constant 63488 : i32
        %sub3A_109 = arith.subi %shift_right_arithmetic3A_108, %sub3A : i32
        %broadcast_in_dim3A = vector.broadcast %sub3A_109 : i32 to vector<16xi32>
        %gather3A = tpu.vector_load_idx %arg13[%iota3A, %broadcast_in_dim3A] : memref<32x64xf32, #tpu.memory_space<vmem>>[vector<16xi32>, vector<16xi32>], vector<16xf32>,
        %add3A_110 = arith.constant 16 : i32
        %add3A_111 = vector.broadcast %add3A_110 : i32 to vector<16xi32>
        %add3A_112 = arith.addi %iota3A, %add3A_111 : vector<16xi32>
        %gather3A_113 = tpu.vector_load_idx %arg13[%add3A_112, %broadcast_in_dim3A] : memref<32x64xf32, #tpu.memory_space<vmem>>[vector<16xi32>, vector<16xi32>], vector<16xf32>,
        %swap3A = arith.index_cast %while3A_105 : i32 to index
        %swap3A_114 = arith.constant 0 : index
        %swap3A_115 = tpu.vector_load %arg14[%swap3A, %swap3A_114] {strides = array<i32>} : memref<128x128xf32, #tpu.memory_space<vmem>>, vector<16xf32>,
        tpu.vector_store %arg14[%swap3A, %swap3A_114], %gather3A {strides = array<i32>} : memref<128x128xf32, #tpu.memory_space<vmem>>, vector<16xf32>,
        %swap3A_116 = arith.index_cast %while3A_105 : i32 to index
        %swap3A_117 = arith.constant 16 : index
        %swap3A_118 = tpu.vector_load %arg14[%swap3A_116, %swap3A_117] {strides = array<i32>} : memref<128x128xf32, #tpu.memory_space<vmem>>, vector<16xf32>,
        tpu.vector_store %arg14[%swap3A_116, %swap3A_117], %gather3A_113 {strides = array<i32>} : memref<128x128xf32, #tpu.memory_space<vmem>>, vector<16xf32>,
        %broadcast_in_dim3A_119 = vector.broadcast %while3A_105 : i32 to vector<16xi32>
        %and3A = arith.constant 16383 : i32
        %and3A_120 = arith.andi %squeeze3A, %and3A : i32
        %broadcast_in_dim3A_121 = vector.broadcast %and3A_120 : i32 to vector<16xi32>
        tpu.vector_store_idx %arg15[%broadcast_in_dim3A_119], %broadcast_in_dim3A_121 masked %eq3A_9 : memref<128xi32, #tpu.memory_space<vmem>>[vector<16xi32>], vector<16xi32>, vector<16xi1>
        %add3A_122 = arith.constant 1 : i32
        %add3A_123 = arith.addi %while3A_105, %add3A_122 : i32
        %eq3A_124 = arith.constant 112 : i32
        %eq3A_125 = arith.cmpi eq, %add3A_123, %eq3A_124 : i32
        %convert_element_type3A_126 = arith.extui %eq3A_125 : i1 to i32
        %cond3A_127 = arith.constant 0 : i32
        %cond3A_128 = arith.cmpi ne, %convert_element_type3A_126, %cond3A_127 : i32
        scf.if %cond3A_128 {
          %dma_start3A_133 = arith.constant 0 : i32
          %dma_start3A_134 = arith.constant 0 : i32
          %dma_start3A_135 = tpu.memref_slice %arg6[%dma_start3A_133, %dma_start3A_134] : memref<16385x128xf32, #tpu.memory_space<hbm>> -> memref<16385x128xf32, #tpu.memory_space<hbm>>
          tpu.enqueue_indirect_dma source(%arg14 : memref<128x128xf32, #tpu.memory_space<vmem>>) target(%dma_start3A_135 : memref<16385x128xf32, #tpu.memory_space<hbm>>) offsets(%arg15 : memref<128xi32, #tpu.memory_space<vmem>>) semaphore(%arg20 : memref<!tpu.dma_semaphore, #tpu.memory_space<semaphore_mem>>)
          %dma_wait3A_136 = arith.constant 0 : i32
          %dma_wait3A_137 = arith.constant 0 : i32
          %dma_wait3A_138 = tpu.memref_slice %arg6[%dma_wait3A_136, %dma_wait3A_137] : memref<16385x128xf32, #tpu.memory_space<hbm>> -> memref<16385x128xf32, #tpu.memory_space<hbm>>
          tpu.wait_indirect_dma semaphore(%arg20 : memref<!tpu.dma_semaphore, #tpu.memory_space<semaphore_mem>>) src(%arg14 : memref<128x128xf32, #tpu.memory_space<vmem>>) dst(%dma_wait3A_138 : memref<16385x128xf32, #tpu.memory_space<hbm>>)
        } else {
        }
        %eq3A_129 = arith.constant 112 : i32
        %eq3A_130 = arith.cmpi eq, %add3A_123, %eq3A_129 : i32
        %jit3A_131 = arith.constant 0 : i32
        %select_n3A_132 = arith.select %eq3A_130, %jit3A_131, %add3A_123 : i32
        scf.yield %select_n3A_132 : i32
      }
      %while3A_97 = arith.constant 1 : i32
      %while3A_98 = scf.for %while3A_104 = %while3A_94 to %while3A_90 step %while3A_97 iter_args(%while3A_105 = %while3A_96) -> (i32)  : i32 {
        %get3A_106 = arith.index_cast %while3A_104 : i32 to index
        %get3A_107 = tpu.vector_load %arg10[%get3A_106] {strides = array<i32>} : memref<16400xi32, #tpu.memory_space<vmem>>, vector<16xi32>,
        %slice3A = vector.extract_strided_slice %get3A_107 {offsets = [0], sizes = [1], strides = [1]} : vector<16xi32> to vector<1xi32>
        %squeeze3A = vector.extract %slice3A[0] : i32 from vector<1xi32>
        %shift_right_arithmetic3A = arith.constant 14 : i32
        %shift_right_arithmetic3A_108 = arith.shrsi %squeeze3A, %shift_right_arithmetic3A : i32
        %sub3A = arith.constant 63488 : i32
        %sub3A_109 = arith.subi %shift_right_arithmetic3A_108, %sub3A : i32
        %broadcast_in_dim3A = vector.broadcast %sub3A_109 : i32 to vector<16xi32>
        %gather3A = tpu.vector_load_idx %arg13[%iota3A, %broadcast_in_dim3A] : memref<32x64xf32, #tpu.memory_space<vmem>>[vector<16xi32>, vector<16xi32>], vector<16xf32>,
        %add3A_110 = arith.constant 16 : i32
        %add3A_111 = vector.broadcast %add3A_110 : i32 to vector<16xi32>
        %add3A_112 = arith.addi %iota3A, %add3A_111 : vector<16xi32>
        %gather3A_113 = tpu.vector_load_idx %arg13[%add3A_112, %broadcast_in_dim3A] : memref<32x64xf32, #tpu.memory_space<vmem>>[vector<16xi32>, vector<16xi32>], vector<16xf32>,
        %swap3A = arith.index_cast %while3A_105 : i32 to index
        %swap3A_114 = arith.constant 0 : index
        %swap3A_115 = tpu.vector_load %arg14[%swap3A, %swap3A_114] {strides = array<i32>} : memref<128x128xf32, #tpu.memory_space<vmem>>, vector<16xf32>,
        tpu.vector_store %arg14[%swap3A, %swap3A_114], %gather3A {strides = array<i32>} : memref<128x128xf32, #tpu.memory_space<vmem>>, vector<16xf32>,
        %swap3A_116 = arith.index_cast %while3A_105 : i32 to index
        %swap3A_117 = arith.constant 16 : index
        %swap3A_118 = tpu.vector_load %arg14[%swap3A_116, %swap3A_117] {strides = array<i32>} : memref<128x128xf32, #tpu.memory_space<vmem>>, vector<16xf32>,
        tpu.vector_store %arg14[%swap3A_116, %swap3A_117], %gather3A_113 {strides = array<i32>} : memref<128x128xf32, #tpu.memory_space<vmem>>, vector<16xf32>,
        %broadcast_in_dim3A_119 = vector.broadcast %while3A_105 : i32 to vector<16xi32>
        %and3A = arith.constant 16383 : i32
        %and3A_120 = arith.andi %squeeze3A, %and3A : i32
        %broadcast_in_dim3A_121 = vector.broadcast %and3A_120 : i32 to vector<16xi32>
        tpu.vector_store_idx %arg15[%broadcast_in_dim3A_119], %broadcast_in_dim3A_121 masked %eq3A_9 : memref<128xi32, #tpu.memory_space<vmem>>[vector<16xi32>], vector<16xi32>, vector<16xi1>
        %add3A_122 = arith.constant 1 : i32
        %add3A_123 = arith.addi %while3A_105, %add3A_122 : i32
        %eq3A_124 = arith.constant 112 : i32
        %eq3A_125 = arith.cmpi eq, %add3A_123, %eq3A_124 : i32
        %convert_element_type3A_126 = arith.extui %eq3A_125 : i1 to i32
        %cond3A_127 = arith.constant 0 : i32
        %cond3A_128 = arith.cmpi ne, %convert_element_type3A_126, %cond3A_127 : i32
        scf.if %cond3A_128 {
          %dma_start3A_133 = arith.constant 0 : i32
          %dma_start3A_134 = arith.constant 0 : i32
          %dma_start3A_135 = tpu.memref_slice %arg6[%dma_start3A_133, %dma_start3A_134] : memref<16385x128xf32, #tpu.memory_space<hbm>> -> memref<16385x128xf32, #tpu.memory_space<hbm>>
          tpu.enqueue_indirect_dma source(%arg14 : memref<128x128xf32, #tpu.memory_space<vmem>>) target(%dma_start3A_135 : memref<16385x128xf32, #tpu.memory_space<hbm>>) offsets(%arg15 : memref<128xi32, #tpu.memory_space<vmem>>) semaphore(%arg20 : memref<!tpu.dma_semaphore, #tpu.memory_space<semaphore_mem>>)
          %dma_wait3A_136 = arith.constant 0 : i32
          %dma_wait3A_137 = arith.constant 0 : i32
          %dma_wait3A_138 = tpu.memref_slice %arg6[%dma_wait3A_136, %dma_wait3A_137] : memref<16385x128xf32, #tpu.memory_space<hbm>> -> memref<16385x128xf32, #tpu.memory_space<hbm>>
          tpu.wait_indirect_dma semaphore(%arg20 : memref<!tpu.dma_semaphore, #tpu.memory_space<semaphore_mem>>) src(%arg14 : memref<128x128xf32, #tpu.memory_space<vmem>>) dst(%dma_wait3A_138 : memref<16385x128xf32, #tpu.memory_space<hbm>>)
        } else {
        }
        %eq3A_129 = arith.constant 112 : i32
        %eq3A_130 = arith.cmpi eq, %add3A_123, %eq3A_129 : i32
        %jit3A_131 = arith.constant 0 : i32
        %select_n3A_132 = arith.select %eq3A_130, %jit3A_131, %add3A_123 : i32
        scf.yield %select_n3A_132 : i32
      }
      %dma_start3A_99 = arith.constant 0 : i32
      %dma_start3A_100 = arith.constant 0 : i32
      %dma_start3A_101 = tpu.memref_slice %arg6[%dma_start3A_99, %dma_start3A_100] : memref<16385x128xf32, #tpu.memory_space<hbm>> -> memref<16385x128xf32, #tpu.memory_space<hbm>>
      tpu.enqueue_indirect_dma source(%arg14 : memref<128x128xf32, #tpu.memory_space<vmem>>) target(%dma_start3A_101 : memref<16385x128xf32, #tpu.memory_space<hbm>>) offsets(%arg15 : memref<128xi32, #tpu.memory_space<vmem>>) semaphore(%arg20 : memref<!tpu.dma_semaphore, #tpu.memory_space<semaphore_mem>>)
      %dma_wait3A = arith.constant 0 : i32
      %dma_wait3A_102 = arith.constant 0 : i32
      %dma_wait3A_103 = tpu.memref_slice %arg6[%dma_wait3A, %dma_wait3A_102] : memref<16385x128xf32, #tpu.memory_space<hbm>> -> memref<16385x128xf32, #tpu.memory_space<hbm>>
      tpu.wait_indirect_dma semaphore(%arg20 : memref<!tpu.dma_semaphore, #tpu.memory_space<semaphore_mem>>) src(%arg14 : memref<128x128xf32, #tpu.memory_space<vmem>>) dst(%dma_wait3A_103 : memref<16385x128xf32, #tpu.memory_space<hbm>>)
    } else {
    }
    %eq3A_13 = arith.constant 1 : i32
    %eq3A_14 = arith.cmpi eq, %arg0, %eq3A_13 : i32
    %convert_element_type3A_15 = arith.extui %eq3A_14 : i1 to i32
    %cond3A_16 = arith.constant 0 : i32
    %cond3A_17 = arith.cmpi ne, %convert_element_type3A_15, %cond3A_16 : i32
    scf.if %cond3A_17 {
      %scan3A = arith.constant 0 : i32
      %scan3A_18 = arith.constant 0 : i32
      %scan3A_19 = arith.constant 8 : i32
      %scan3A_20 = arith.addi %scan3A_18, %scan3A_19 : i32
      %scan3A_21 = arith.constant 1 : i32
      %scan3A_22 = scf.for %scan3A_104 = %scan3A_18 to %scan3A_20 step %scan3A_21 iter_args(%scan3A_105 = %scan3A) -> (i32)  : i32 {
        %mul3A_106 = arith.constant 16 : i32
        %mul3A_107 = arith.muli %scan3A_104, %mul3A_106 : i32
        %add3A_108 = vector.broadcast %mul3A_107 : i32 to vector<16xi32>
        %add3A_109 = arith.addi %add3A_108, %iota3A : vector<16xi32>
        %broadcast_in_dim3A = arith.constant 16384 : i32
        %broadcast_in_dim3A_110 = vector.broadcast %broadcast_in_dim3A : i32 to vector<16xi32>
        tpu.vector_store_idx %arg15[%add3A_109], %broadcast_in_dim3A_110 : memref<128xi32, #tpu.memory_space<vmem>>[vector<16xi32>], vector<16xi32>,
        %scan3A_111 = arith.constant 0 : i32
        scf.yield %scan3A_111 : i32
      }
      %scan3A_23 = arith.constant 8 : i32
      %scan3A_24 = arith.constant 0 : i32
      %scan3A_25 = arith.constant 0 : i32
      %scan3A_26 = arith.constant 8 : i32
      %scan3A_27 = arith.addi %scan3A_25, %scan3A_26 : i32
      %scan3A_28 = arith.constant 1 : i32
      %scan3A_29 = scf.for %scan3A_104 = %scan3A_25 to %scan3A_27 step %scan3A_28 iter_args(%scan3A_105 = %scan3A_24) -> (i32)  : i32 {
        %mul3A_106 = arith.constant 2048 : i32
        %mul3A_107 = arith.muli %scan3A_104, %mul3A_106 : i32
        "tpu.region"() ({
          %run_scoped3A = tpu.sem_alloc : memref<!tpu.dma_semaphore, #tpu.memory_space<semaphore_mem>>
          %dma_start3A_114 = tpu.memref_slice %arg3[%mul3A_107] : memref<16384xi32, #tpu.memory_space<hbm>> -> memref<2048xi32, #tpu.memory_space<hbm>>
          %dma_start3A_115 = tpu.memref_slice %arg3[%mul3A_107] : memref<16384xi32, #tpu.memory_space<hbm>> -> memref<2048xi32, #tpu.memory_space<hbm>>
          tpu.enqueue_dma source(%dma_start3A_115 : memref<2048xi32, #tpu.memory_space<hbm>>) target(%arg8 : memref<2048xi32, #tpu.memory_space<vmem>>) target_semaphore(%run_scoped3A : memref<!tpu.dma_semaphore, #tpu.memory_space<semaphore_mem>>)
          %dma_wait3A_116 = tpu.memref_slice %arg3[%mul3A_107] : memref<16384xi32, #tpu.memory_space<hbm>> -> memref<2048xi32, #tpu.memory_space<hbm>>
          %dma_wait3A_117 = tpu.memref_slice %arg3[%mul3A_107] : memref<16384xi32, #tpu.memory_space<hbm>> -> memref<2048xi32, #tpu.memory_space<hbm>>
          tpu.wait_dma2 semaphore(%run_scoped3A : memref<!tpu.dma_semaphore, #tpu.memory_space<semaphore_mem>>) src(%dma_wait3A_117 : memref<2048xi32, #tpu.memory_space<hbm>>) dst(%arg8 : memref<2048xi32, #tpu.memory_space<vmem>>)
          tpu.yield
        }) : () -> ()
        %scan3A_108 = arith.constant 0 : i32
        %scan3A_109 = arith.constant 128 : i32
        %scan3A_110 = arith.addi %scan3A_108, %scan3A_109 : i32
        %scan3A_111 = arith.constant 1 : i32
        %scan3A_112 = scf.for %scan3A_114 = %scan3A_108 to %scan3A_110 step %scan3A_111 iter_args(%scan3A_115 = %scan3A_105) -> (i32)  : i32 {
          %mul3A_116 = arith.constant 16 : i32
          %mul3A_117 = arith.muli %scan3A_114, %mul3A_116 : i32
          %get3A_118 = arith.index_cast %mul3A_117 : i32 to index
          %get3A_119 = tpu.vector_load %arg8[%get3A_118] {strides = array<i32>} : memref<2048xi32, #tpu.memory_space<vmem>>, vector<16xi32>,
          %sub3A = vector.broadcast %select_n3A : i32 to vector<16xi32>
          %sub3A_120 = arith.subi %get3A_119, %sub3A : vector<16xi32>
          %ge3A = arith.constant 0 : i32
          %ge3A_121 = vector.broadcast %ge3A : i32 to vector<16xi32>
          %ge3A_122 = arith.cmpi sge, %sub3A_120, %ge3A_121 : vector<16xi32>
          %lt3A = vector.broadcast %select_n3A_6 : i32 to vector<16xi32>
          %lt3A_123 = arith.cmpi slt, %sub3A_120, %lt3A : vector<16xi32>
          %and3A = arith.andi %ge3A_122, %lt3A_123 : vector<16xi1>
          %convert_element_type3A_124 = arith.extui %and3A : vector<16xi1> to vector<16xi32>
          %broadcast_in_dim3A = arith.constant true
          %broadcast_in_dim3A_125 = vector.broadcast %broadcast_in_dim3A : i1 to vector<16xi1>
          %masked_cumsum3A = tpu.scan <sum>, %convert_element_type3A_124 masked %broadcast_in_dim3A_125 : vector<16xi32>, vector<16xi1> -> vector<16xi32>
          %mul3A_126 = arith.constant 2048 : i32
          %mul3A_127 = arith.muli %scan3A_104, %mul3A_126 : i32
          %mul3A_128 = arith.constant 16 : i32
          %mul3A_129 = arith.muli %scan3A_114, %mul3A_128 : i32
          %add3A_130 = arith.addi %mul3A_127, %mul3A_129 : i32
          %add3A_131 = vector.broadcast %add3A_130 : i32 to vector<16xi32>
          %add3A_132 = arith.addi %add3A_131, %iota3A : vector<16xi32>
          %shift_left3A = arith.constant 14 : i32
          %shift_left3A_133 = vector.broadcast %shift_left3A : i32 to vector<16xi32>
          %shift_left3A_134 = arith.shli %sub3A_120, %shift_left3A_133 : vector<16xi32>
          %or3A = arith.ori %shift_left3A_134, %add3A_132 : vector<16xi32>
          %add3A_135 = vector.broadcast %scan3A_115 : i32 to vector<16xi32>
          %add3A_136 = arith.addi %add3A_135, %masked_cumsum3A : vector<16xi32>
          %sub3A_137 = arith.subi %add3A_136, %convert_element_type3A_124 : vector<16xi32>
          tpu.vector_store_idx %arg9[%sub3A_137], %or3A masked %and3A : memref<16400xi32, #tpu.memory_space<vmem>>[vector<16xi32>], vector<16xi32>, vector<16xi1>
          %slice3A = vector.extract_strided_slice %masked_cumsum3A {offsets = [15], sizes = [1], strides = [1]} : vector<16xi32> to vector<1xi32>
          %squeeze3A = vector.extract %slice3A[0] : i32 from vector<1xi32>
          %add3A_138 = arith.addi %scan3A_115, %squeeze3A : i32
          scf.yield %add3A_138 : i32
        }
        %scan3A_113 = arith.constant 128 : i32
        scf.yield %scan3A_112 : i32
      }
      %scan3A_30 = arith.constant 8 : i32
      %scan3A_31 = arith.constant 0 : i32
      %scan3A_32 = arith.constant 0 : i32
      %scan3A_33 = arith.constant 64 : i32
      %scan3A_34 = arith.addi %scan3A_32, %scan3A_33 : i32
      %scan3A_35 = arith.constant 1 : i32
      %scan3A_36 = scf.for %scan3A_104 = %scan3A_32 to %scan3A_34 step %scan3A_35 iter_args(%scan3A_105 = %scan3A_31) -> (i32)  : i32 {
        %swap3A = arith.constant 0 : i32
        %swap3A_106 = arith.index_cast %scan3A_104 : i32 to index
        %swap3A_107 = memref.load %arg16[%swap3A_106] : memref<64xi32, #tpu.memory_space<smem>>
        memref.store %swap3A, %arg16[%swap3A_106] : memref<64xi32, #tpu.memory_space<smem>>
        %scan3A_108 = arith.constant 0 : i32
        scf.yield %scan3A_108 : i32
      }
      %scan3A_37 = arith.constant 64 : i32
      %while3A = arith.constant 0 : i32
      %while3A_38 = arith.constant 0 : i32
      %while3A_39 = arith.subi %scan3A_29, %while3A : i32
      %while3A_40 = arith.addi %while3A, %while3A_39 : i32
      %while3A_41 = arith.constant 1 : i32
      %while3A_42 = arith.divsi %while3A_39, %while3A_41 : i32
      %while3A_43 = arith.muli %while3A_42, %while3A_41 : i32
      %while3A_44 = arith.addi %while3A, %while3A_43 : i32
      %while3A_45 = arith.constant 1 : i32
      %while3A_46 = scf.for %while3A_104 = %while3A to %while3A_44 step %while3A_45 iter_args(%while3A_105 = %while3A_38) -> (i32)  : i32 {
        %get3A_106 = arith.index_cast %while3A_104 : i32 to index
        %get3A_107 = tpu.vector_load %arg9[%get3A_106] {strides = array<i32>} : memref<16400xi32, #tpu.memory_space<vmem>>, vector<16xi32>,
        %slice3A = vector.extract_strided_slice %get3A_107 {offsets = [0], sizes = [1], strides = [1]} : vector<16xi32> to vector<1xi32>
        %squeeze3A = vector.extract %slice3A[0] : i32 from vector<1xi32>
        %shift_right_arithmetic3A = arith.constant 24 : i32
        %shift_right_arithmetic3A_108 = arith.shrsi %squeeze3A, %shift_right_arithmetic3A : i32
        %get3A_109 = arith.index_cast %shift_right_arithmetic3A_108 : i32 to index
        %get3A_110 = memref.load %arg16[%get3A_109] : memref<64xi32, #tpu.memory_space<smem>>
        %add3A_111 = arith.constant 1 : i32
        %add3A_112 = arith.addi %get3A_110, %add3A_111 : i32
        %swap3A = arith.index_cast %shift_right_arithmetic3A_108 : i32 to index
        %swap3A_113 = memref.load %arg16[%swap3A] : memref<64xi32, #tpu.memory_space<smem>>
        memref.store %add3A_112, %arg16[%swap3A] : memref<64xi32, #tpu.memory_space<smem>>
        %while3A_114 = arith.constant 0 : i32
        scf.yield %while3A_114 : i32
      }
      %while3A_47 = arith.constant 1 : i32
      %while3A_48 = scf.for %while3A_104 = %while3A_44 to %while3A_40 step %while3A_47 iter_args(%while3A_105 = %while3A_46) -> (i32)  : i32 {
        %get3A_106 = arith.index_cast %while3A_104 : i32 to index
        %get3A_107 = tpu.vector_load %arg9[%get3A_106] {strides = array<i32>} : memref<16400xi32, #tpu.memory_space<vmem>>, vector<16xi32>,
        %slice3A = vector.extract_strided_slice %get3A_107 {offsets = [0], sizes = [1], strides = [1]} : vector<16xi32> to vector<1xi32>
        %squeeze3A = vector.extract %slice3A[0] : i32 from vector<1xi32>
        %shift_right_arithmetic3A = arith.constant 24 : i32
        %shift_right_arithmetic3A_108 = arith.shrsi %squeeze3A, %shift_right_arithmetic3A : i32
        %get3A_109 = arith.index_cast %shift_right_arithmetic3A_108 : i32 to index
        %get3A_110 = memref.load %arg16[%get3A_109] : memref<64xi32, #tpu.memory_space<smem>>
        %add3A_111 = arith.constant 1 : i32
        %add3A_112 = arith.addi %get3A_110, %add3A_111 : i32
        %swap3A = arith.index_cast %shift_right_arithmetic3A_108 : i32 to index
        %swap3A_113 = memref.load %arg16[%swap3A] : memref<64xi32, #tpu.memory_space<smem>>
        memref.store %add3A_112, %arg16[%swap3A] : memref<64xi32, #tpu.memory_space<smem>>
        %while3A_114 = arith.constant 0 : i32
        scf.yield %while3A_114 : i32
      }
      %scan3A_49 = arith.constant 0 : i32
      %scan3A_50 = arith.constant 0 : i32
      %scan3A_51 = arith.constant 64 : i32
      %scan3A_52 = arith.addi %scan3A_50, %scan3A_51 : i32
      %scan3A_53 = arith.constant 1 : i32
      %scan3A_54 = scf.for %scan3A_104 = %scan3A_50 to %scan3A_52 step %scan3A_53 iter_args(%scan3A_105 = %scan3A_49) -> (i32)  : i32 {
        %get3A_106 = arith.index_cast %scan3A_104 : i32 to index
        %get3A_107 = memref.load %arg16[%get3A_106] : memref<64xi32, #tpu.memory_space<smem>>
        %swap3A = arith.index_cast %scan3A_104 : i32 to index
        %swap3A_108 = memref.load %arg16[%swap3A] : memref<64xi32, #tpu.memory_space<smem>>
        memref.store %scan3A_105, %arg16[%swap3A] : memref<64xi32, #tpu.memory_space<smem>>
        %swap3A_109 = arith.index_cast %scan3A_104 : i32 to index
        %swap3A_110 = memref.load %arg17[%swap3A_109] : memref<64xi32, #tpu.memory_space<smem>>
        memref.store %scan3A_105, %arg17[%swap3A_109] : memref<64xi32, #tpu.memory_space<smem>>
        %add3A_111 = arith.addi %scan3A_105, %get3A_107 : i32
        scf.yield %add3A_111 : i32
      }
      %scan3A_55 = arith.constant 64 : i32
      %while3A_56 = arith.constant 0 : i32
      %while3A_57 = arith.constant 0 : i32
      %while3A_58 = arith.subi %scan3A_29, %while3A_56 : i32
      %while3A_59 = arith.addi %while3A_56, %while3A_58 : i32
      %while3A_60 = arith.constant 1 : i32
      %while3A_61 = arith.divsi %while3A_58, %while3A_60 : i32
      %while3A_62 = arith.muli %while3A_61, %while3A_60 : i32
      %while3A_63 = arith.addi %while3A_56, %while3A_62 : i32
      %while3A_64 = arith.constant 1 : i32
      %while3A_65 = scf.for %while3A_104 = %while3A_56 to %while3A_63 step %while3A_64 iter_args(%while3A_105 = %while3A_57) -> (i32)  : i32 {
        %get3A_106 = arith.index_cast %while3A_104 : i32 to index
        %get3A_107 = tpu.vector_load %arg9[%get3A_106] {strides = array<i32>} : memref<16400xi32, #tpu.memory_space<vmem>>, vector<16xi32>,
        %slice3A = vector.extract_strided_slice %get3A_107 {offsets = [0], sizes = [1], strides = [1]} : vector<16xi32> to vector<1xi32>
        %squeeze3A = vector.extract %slice3A[0] : i32 from vector<1xi32>
        %shift_right_arithmetic3A = arith.constant 24 : i32
        %shift_right_arithmetic3A_108 = arith.shrsi %squeeze3A, %shift_right_arithmetic3A : i32
        %get3A_109 = arith.index_cast %shift_right_arithmetic3A_108 : i32 to index
        %get3A_110 = memref.load %arg17[%get3A_109] : memref<64xi32, #tpu.memory_space<smem>>
        %add3A_111 = arith.constant 1 : i32
        %add3A_112 = arith.addi %get3A_110, %add3A_111 : i32
        %swap3A = arith.index_cast %shift_right_arithmetic3A_108 : i32 to index
        %swap3A_113 = memref.load %arg17[%swap3A] : memref<64xi32, #tpu.memory_space<smem>>
        memref.store %add3A_112, %arg17[%swap3A] : memref<64xi32, #tpu.memory_space<smem>>
        %broadcast_in_dim3A = vector.broadcast %get3A_110 : i32 to vector<16xi32>
        %broadcast_in_dim3A_114 = vector.broadcast %squeeze3A : i32 to vector<16xi32>
        tpu.vector_store_idx %arg10[%broadcast_in_dim3A], %broadcast_in_dim3A_114 masked %eq3A_9 : memref<16400xi32, #tpu.memory_space<vmem>>[vector<16xi32>], vector<16xi32>, vector<16xi1>
        %while3A_115 = arith.constant 0 : i32
        scf.yield %while3A_115 : i32
      }
      %while3A_66 = arith.constant 1 : i32
      %while3A_67 = scf.for %while3A_104 = %while3A_63 to %while3A_59 step %while3A_66 iter_args(%while3A_105 = %while3A_65) -> (i32)  : i32 {
        %get3A_106 = arith.index_cast %while3A_104 : i32 to index
        %get3A_107 = tpu.vector_load %arg9[%get3A_106] {strides = array<i32>} : memref<16400xi32, #tpu.memory_space<vmem>>, vector<16xi32>,
        %slice3A = vector.extract_strided_slice %get3A_107 {offsets = [0], sizes = [1], strides = [1]} : vector<16xi32> to vector<1xi32>
        %squeeze3A = vector.extract %slice3A[0] : i32 from vector<1xi32>
        %shift_right_arithmetic3A = arith.constant 24 : i32
        %shift_right_arithmetic3A_108 = arith.shrsi %squeeze3A, %shift_right_arithmetic3A : i32
        %get3A_109 = arith.index_cast %shift_right_arithmetic3A_108 : i32 to index
        %get3A_110 = memref.load %arg17[%get3A_109] : memref<64xi32, #tpu.memory_space<smem>>
        %add3A_111 = arith.constant 1 : i32
        %add3A_112 = arith.addi %get3A_110, %add3A_111 : i32
        %swap3A = arith.index_cast %shift_right_arithmetic3A_108 : i32 to index
        %swap3A_113 = memref.load %arg17[%swap3A] : memref<64xi32, #tpu.memory_space<smem>>
        memref.store %add3A_112, %arg17[%swap3A] : memref<64xi32, #tpu.memory_space<smem>>
        %broadcast_in_dim3A = vector.broadcast %get3A_110 : i32 to vector<16xi32>
        %broadcast_in_dim3A_114 = vector.broadcast %squeeze3A : i32 to vector<16xi32>
        tpu.vector_store_idx %arg10[%broadcast_in_dim3A], %broadcast_in_dim3A_114 masked %eq3A_9 : memref<16400xi32, #tpu.memory_space<vmem>>[vector<16xi32>], vector<16xi32>, vector<16xi1>
        %while3A_115 = arith.constant 0 : i32
        scf.yield %while3A_115 : i32
      }
      %add3A = arith.constant 0 : i32
      %add3A_68 = arith.addi %select_n3A, %add3A : i32
      %dma_start3A = arith.constant 0 : i32
      %dma_start3A_69 = tpu.memref_slice %arg5[%dma_start3A, %add3A_68] : memref<32x1000000xf32, #tpu.memory_space<hbm>> -> memref<32x1024xf32, #tpu.memory_space<hbm>>
      %dma_start3A_70 = arith.constant 0 : i32
      %dma_start3A_71 = tpu.memref_slice %arg5[%dma_start3A_70, %add3A_68] : memref<32x1000000xf32, #tpu.memory_space<hbm>> -> memref<32x1024xf32, #tpu.memory_space<hbm>>
      tpu.enqueue_dma source(%dma_start3A_71 : memref<32x1024xf32, #tpu.memory_space<hbm>>) target(%arg11 : memref<32x1024xf32, #tpu.memory_space<vmem>>) target_semaphore(%arg18 : memref<!tpu.dma_semaphore, #tpu.memory_space<semaphore_mem>>)
      %scan3A_72 = arith.constant 0 : i32
      %scan3A_73 = arith.constant 0 : i32
      %scan3A_74 = arith.constant 31 : i32
      %scan3A_75 = arith.addi %scan3A_73, %scan3A_74 : i32
      %scan3A_76 = arith.constant 1 : i32
      %scan3A_77 = scf.for %scan3A_104 = %scan3A_73 to %scan3A_75 step %scan3A_76 iter_args(%scan3A_105 = %scan3A_72) -> (i32)  : i32 {
        %mul3A_106 = arith.constant 2 : i32
        %mul3A_107 = arith.muli %scan3A_104, %mul3A_106 : i32
        %add3A_108 = arith.constant 0 : i32
        %add3A_109 = arith.addi %mul3A_107, %add3A_108 : i32
        %add3A_110 = arith.constant 1 : i32
        %add3A_111 = arith.addi %add3A_109, %add3A_110 : i32
        %lt3A = arith.constant 62 : i32
        %lt3A_112 = arith.cmpi slt, %add3A_111, %lt3A : i32
        %convert_element_type3A_113 = arith.extui %lt3A_112 : i1 to i32
        %cond3A_114 = arith.constant 0 : i32
        %cond3A_115 = arith.cmpi ne, %convert_element_type3A_113, %cond3A_114 : i32
        scf.if %cond3A_115 {
          %add3A_177 = arith.constant 1 : i32
          %add3A_178 = arith.addi %add3A_109, %add3A_177 : i32
          %mul3A_179 = arith.constant 1024 : i32
          %mul3A_180 = arith.muli %add3A_178, %mul3A_179 : i32
          %add3A_181 = arith.addi %select_n3A, %mul3A_180 : i32
          %dma_start3A_182 = arith.constant 0 : i32
          %dma_start3A_183 = tpu.memref_slice %arg5[%dma_start3A_182, %add3A_181] : memref<32x1000000xf32, #tpu.memory_space<hbm>> -> memref<32x1024xf32, #tpu.memory_space<hbm>>
          %dma_start3A_184 = arith.constant 0 : i32
          %dma_start3A_185 = tpu.memref_slice %arg5[%dma_start3A_184, %add3A_181] : memref<32x1000000xf32, #tpu.memory_space<hbm>> -> memref<32x1024xf32, #tpu.memory_space<hbm>>
          tpu.enqueue_dma source(%dma_start3A_185 : memref<32x1024xf32, #tpu.memory_space<hbm>>) target(%arg12 : memref<32x1024xf32, #tpu.memory_space<vmem>>) target_semaphore(%arg19 : memref<!tpu.dma_semaphore, #tpu.memory_space<semaphore_mem>>)
        } else {
        }
        %mul3A_116 = arith.constant 1024 : i32
        %mul3A_117 = arith.muli %add3A_109, %mul3A_116 : i32
        %add3A_118 = arith.addi %select_n3A, %mul3A_117 : i32
        %dma_wait3A_119 = arith.constant 0 : i32
        %dma_wait3A_120 = tpu.memref_slice %arg5[%dma_wait3A_119, %add3A_118] : memref<32x1000000xf32, #tpu.memory_space<hbm>> -> memref<32x1024xf32, #tpu.memory_space<hbm>>
        %dma_wait3A_121 = arith.constant 0 : i32
        %dma_wait3A_122 = tpu.memref_slice %arg5[%dma_wait3A_121, %add3A_118] : memref<32x1000000xf32, #tpu.memory_space<hbm>> -> memref<32x1024xf32, #tpu.memory_space<hbm>>
        tpu.wait_dma2 semaphore(%arg18 : memref<!tpu.dma_semaphore, #tpu.memory_space<semaphore_mem>>) src(%dma_wait3A_122 : memref<32x1024xf32, #tpu.memory_space<hbm>>) dst(%arg11 : memref<32x1024xf32, #tpu.memory_space<vmem>>)
        %mul3A_123 = arith.constant 1024 : i32
        %mul3A_124 = arith.muli %add3A_109, %mul3A_123 : i32
        %get3A_125 = arith.index_cast %add3A_109 : i32 to index
        %get3A_126 = memref.load %arg16[%get3A_125] : memref<64xi32, #tpu.memory_space<smem>>
        %add3A_127 = arith.constant 1 : i32
        %add3A_128 = arith.addi %add3A_109, %add3A_127 : i32
        %get3A_129 = arith.index_cast %add3A_128 : i32 to index
        %get3A_130 = memref.load %arg16[%get3A_129] : memref<64xi32, #tpu.memory_space<smem>>
        %while3A_131 = arith.subi %get3A_130, %get3A_126 : i32
        %while3A_132 = arith.addi %get3A_126, %while3A_131 : i32
        %while3A_133 = arith.constant 1 : i32
        %while3A_134 = arith.divsi %while3A_131, %while3A_133 : i32
        %while3A_135 = arith.muli %while3A_134, %while3A_133 : i32
        %while3A_136 = arith.addi %get3A_126, %while3A_135 : i32
        %while3A_137 = arith.constant 1 : i32
        %while3A_138 = scf.for %while3A_177 = %get3A_126 to %while3A_136 step %while3A_137 iter_args(%while3A_178 = %scan3A_105) -> (i32)  : i32 {
          %get3A_179 = arith.index_cast %while3A_177 : i32 to index
          %get3A_180 = tpu.vector_load %arg10[%get3A_179] {strides = array<i32>} : memref<16400xi32, #tpu.memory_space<vmem>>, vector<16xi32>,
          %slice3A = vector.extract_strided_slice %get3A_180 {offsets = [0], sizes = [1], strides = [1]} : vector<16xi32> to vector<1xi32>
          %squeeze3A = vector.extract %slice3A[0] : i32 from vector<1xi32>
          %shift_right_arithmetic3A = arith.constant 14 : i32
          %shift_right_arithmetic3A_181 = arith.shrsi %squeeze3A, %shift_right_arithmetic3A : i32
          %sub3A = arith.subi %shift_right_arithmetic3A_181, %mul3A_124 : i32
          %broadcast_in_dim3A = vector.broadcast %sub3A : i32 to vector<16xi32>
          %gather3A = tpu.vector_load_idx %arg11[%iota3A, %broadcast_in_dim3A] : memref<32x1024xf32, #tpu.memory_space<vmem>>[vector<16xi32>, vector<16xi32>], vector<16xf32>,
          %add3A_182 = arith.constant 16 : i32
          %add3A_183 = vector.broadcast %add3A_182 : i32 to vector<16xi32>
          %add3A_184 = arith.addi %iota3A, %add3A_183 : vector<16xi32>
          %gather3A_185 = tpu.vector_load_idx %arg11[%add3A_184, %broadcast_in_dim3A] : memref<32x1024xf32, #tpu.memory_space<vmem>>[vector<16xi32>, vector<16xi32>], vector<16xf32>,
          %swap3A = arith.index_cast %while3A_178 : i32 to index
          %swap3A_186 = arith.constant 0 : index
          %swap3A_187 = tpu.vector_load %arg14[%swap3A, %swap3A_186] {strides = array<i32>} : memref<128x128xf32, #tpu.memory_space<vmem>>, vector<16xf32>,
          tpu.vector_store %arg14[%swap3A, %swap3A_186], %gather3A {strides = array<i32>} : memref<128x128xf32, #tpu.memory_space<vmem>>, vector<16xf32>,
          %swap3A_188 = arith.index_cast %while3A_178 : i32 to index
          %swap3A_189 = arith.constant 16 : index
          %swap3A_190 = tpu.vector_load %arg14[%swap3A_188, %swap3A_189] {strides = array<i32>} : memref<128x128xf32, #tpu.memory_space<vmem>>, vector<16xf32>,
          tpu.vector_store %arg14[%swap3A_188, %swap3A_189], %gather3A_185 {strides = array<i32>} : memref<128x128xf32, #tpu.memory_space<vmem>>, vector<16xf32>,
          %broadcast_in_dim3A_191 = vector.broadcast %while3A_178 : i32 to vector<16xi32>
          %and3A = arith.constant 16383 : i32
          %and3A_192 = arith.andi %squeeze3A, %and3A : i32
          %broadcast_in_dim3A_193 = vector.broadcast %and3A_192 : i32 to vector<16xi32>
          tpu.vector_store_idx %arg15[%broadcast_in_dim3A_191], %broadcast_in_dim3A_193 masked %eq3A_9 : memref<128xi32, #tpu.memory_space<vmem>>[vector<16xi32>], vector<16xi32>, vector<16xi1>
          %add3A_194 = arith.constant 1 : i32
          %add3A_195 = arith.addi %while3A_178, %add3A_194 : i32
          %eq3A_196 = arith.constant 112 : i32
          %eq3A_197 = arith.cmpi eq, %add3A_195, %eq3A_196 : i32
          %convert_element_type3A_198 = arith.extui %eq3A_197 : i1 to i32
          %cond3A_199 = arith.constant 0 : i32
          %cond3A_200 = arith.cmpi ne, %convert_element_type3A_198, %cond3A_199 : i32
          scf.if %cond3A_200 {
            %dma_start3A_205 = arith.constant 0 : i32
            %dma_start3A_206 = arith.constant 0 : i32
            %dma_start3A_207 = tpu.memref_slice %arg7[%dma_start3A_205, %dma_start3A_206] : memref<16385x128xf32, #tpu.memory_space<hbm>> -> memref<16385x128xf32, #tpu.memory_space<hbm>>
            tpu.enqueue_indirect_dma source(%arg14 : memref<128x128xf32, #tpu.memory_space<vmem>>) target(%dma_start3A_207 : memref<16385x128xf32, #tpu.memory_space<hbm>>) offsets(%arg15 : memref<128xi32, #tpu.memory_space<vmem>>) semaphore(%arg20 : memref<!tpu.dma_semaphore, #tpu.memory_space<semaphore_mem>>)
            %dma_wait3A_208 = arith.constant 0 : i32
            %dma_wait3A_209 = arith.constant 0 : i32
            %dma_wait3A_210 = tpu.memref_slice %arg7[%dma_wait3A_208, %dma_wait3A_209] : memref<16385x128xf32, #tpu.memory_space<hbm>> -> memref<16385x128xf32, #tpu.memory_space<hbm>>
            tpu.wait_indirect_dma semaphore(%arg20 : memref<!tpu.dma_semaphore, #tpu.memory_space<semaphore_mem>>) src(%arg14 : memref<128x128xf32, #tpu.memory_space<vmem>>) dst(%dma_wait3A_210 : memref<16385x128xf32, #tpu.memory_space<hbm>>)
          } else {
          }
          %eq3A_201 = arith.constant 112 : i32
          %eq3A_202 = arith.cmpi eq, %add3A_195, %eq3A_201 : i32
          %jit3A_203 = arith.constant 0 : i32
          %select_n3A_204 = arith.select %eq3A_202, %jit3A_203, %add3A_195 : i32
          scf.yield %select_n3A_204 : i32
        }
        %while3A_139 = arith.constant 1 : i32
        %while3A_140 = scf.for %while3A_177 = %while3A_136 to %while3A_132 step %while3A_139 iter_args(%while3A_178 = %while3A_138) -> (i32)  : i32 {
          %get3A_179 = arith.index_cast %while3A_177 : i32 to index
          %get3A_180 = tpu.vector_load %arg10[%get3A_179] {strides = array<i32>} : memref<16400xi32, #tpu.memory_space<vmem>>, vector<16xi32>,
          %slice3A = vector.extract_strided_slice %get3A_180 {offsets = [0], sizes = [1], strides = [1]} : vector<16xi32> to vector<1xi32>
          %squeeze3A = vector.extract %slice3A[0] : i32 from vector<1xi32>
          %shift_right_arithmetic3A = arith.constant 14 : i32
          %shift_right_arithmetic3A_181 = arith.shrsi %squeeze3A, %shift_right_arithmetic3A : i32
          %sub3A = arith.subi %shift_right_arithmetic3A_181, %mul3A_124 : i32
          %broadcast_in_dim3A = vector.broadcast %sub3A : i32 to vector<16xi32>
          %gather3A = tpu.vector_load_idx %arg11[%iota3A, %broadcast_in_dim3A] : memref<32x1024xf32, #tpu.memory_space<vmem>>[vector<16xi32>, vector<16xi32>], vector<16xf32>,
          %add3A_182 = arith.constant 16 : i32
          %add3A_183 = vector.broadcast %add3A_182 : i32 to vector<16xi32>
          %add3A_184 = arith.addi %iota3A, %add3A_183 : vector<16xi32>
          %gather3A_185 = tpu.vector_load_idx %arg11[%add3A_184, %broadcast_in_dim3A] : memref<32x1024xf32, #tpu.memory_space<vmem>>[vector<16xi32>, vector<16xi32>], vector<16xf32>,
          %swap3A = arith.index_cast %while3A_178 : i32 to index
          %swap3A_186 = arith.constant 0 : index
          %swap3A_187 = tpu.vector_load %arg14[%swap3A, %swap3A_186] {strides = array<i32>} : memref<128x128xf32, #tpu.memory_space<vmem>>, vector<16xf32>,
          tpu.vector_store %arg14[%swap3A, %swap3A_186], %gather3A {strides = array<i32>} : memref<128x128xf32, #tpu.memory_space<vmem>>, vector<16xf32>,
          %swap3A_188 = arith.index_cast %while3A_178 : i32 to index
          %swap3A_189 = arith.constant 16 : index
          %swap3A_190 = tpu.vector_load %arg14[%swap3A_188, %swap3A_189] {strides = array<i32>} : memref<128x128xf32, #tpu.memory_space<vmem>>, vector<16xf32>,
          tpu.vector_store %arg14[%swap3A_188, %swap3A_189], %gather3A_185 {strides = array<i32>} : memref<128x128xf32, #tpu.memory_space<vmem>>, vector<16xf32>,
          %broadcast_in_dim3A_191 = vector.broadcast %while3A_178 : i32 to vector<16xi32>
          %and3A = arith.constant 16383 : i32
          %and3A_192 = arith.andi %squeeze3A, %and3A : i32
          %broadcast_in_dim3A_193 = vector.broadcast %and3A_192 : i32 to vector<16xi32>
          tpu.vector_store_idx %arg15[%broadcast_in_dim3A_191], %broadcast_in_dim3A_193 masked %eq3A_9 : memref<128xi32, #tpu.memory_space<vmem>>[vector<16xi32>], vector<16xi32>, vector<16xi1>
          %add3A_194 = arith.constant 1 : i32
          %add3A_195 = arith.addi %while3A_178, %add3A_194 : i32
          %eq3A_196 = arith.constant 112 : i32
          %eq3A_197 = arith.cmpi eq, %add3A_195, %eq3A_196 : i32
          %convert_element_type3A_198 = arith.extui %eq3A_197 : i1 to i32
          %cond3A_199 = arith.constant 0 : i32
          %cond3A_200 = arith.cmpi ne, %convert_element_type3A_198, %cond3A_199 : i32
          scf.if %cond3A_200 {
            %dma_start3A_205 = arith.constant 0 : i32
            %dma_start3A_206 = arith.constant 0 : i32
            %dma_start3A_207 = tpu.memref_slice %arg7[%dma_start3A_205, %dma_start3A_206] : memref<16385x128xf32, #tpu.memory_space<hbm>> -> memref<16385x128xf32, #tpu.memory_space<hbm>>
            tpu.enqueue_indirect_dma source(%arg14 : memref<128x128xf32, #tpu.memory_space<vmem>>) target(%dma_start3A_207 : memref<16385x128xf32, #tpu.memory_space<hbm>>) offsets(%arg15 : memref<128xi32, #tpu.memory_space<vmem>>) semaphore(%arg20 : memref<!tpu.dma_semaphore, #tpu.memory_space<semaphore_mem>>)
            %dma_wait3A_208 = arith.constant 0 : i32
            %dma_wait3A_209 = arith.constant 0 : i32
            %dma_wait3A_210 = tpu.memref_slice %arg7[%dma_wait3A_208, %dma_wait3A_209] : memref<16385x128xf32, #tpu.memory_space<hbm>> -> memref<16385x128xf32, #tpu.memory_space<hbm>>
            tpu.wait_indirect_dma semaphore(%arg20 : memref<!tpu.dma_semaphore, #tpu.memory_space<semaphore_mem>>) src(%arg14 : memref<128x128xf32, #tpu.memory_space<vmem>>) dst(%dma_wait3A_210 : memref<16385x128xf32, #tpu.memory_space<hbm>>)
          } else {
          }
          %eq3A_201 = arith.constant 112 : i32
          %eq3A_202 = arith.cmpi eq, %add3A_195, %eq3A_201 : i32
          %jit3A_203 = arith.constant 0 : i32
          %select_n3A_204 = arith.select %eq3A_202, %jit3A_203, %add3A_195 : i32
          scf.yield %select_n3A_204 : i32
        }
        %mul3A_141 = arith.constant 2 : i32
        %mul3A_142 = arith.muli %scan3A_104, %mul3A_141 : i32
        %add3A_143 = arith.constant 1 : i32
        %add3A_144 = arith.addi %mul3A_142, %add3A_143 : i32
        %add3A_145 = arith.constant 1 : i32
        %add3A_146 = arith.addi %add3A_144, %add3A_145 : i32
        %lt3A_147 = arith.constant 62 : i32
        %lt3A_148 = arith.cmpi slt, %add3A_146, %lt3A_147 : i32
        %convert_element_type3A_149 = arith.extui %lt3A_148 : i1 to i32
        %cond3A_150 = arith.constant 0 : i32
        %cond3A_151 = arith.cmpi ne, %convert_element_type3A_149, %cond3A_150 : i32
        scf.if %cond3A_151 {
          %add3A_177 = arith.constant 1 : i32
          %add3A_178 = arith.addi %add3A_144, %add3A_177 : i32
          %mul3A_179 = arith.constant 1024 : i32
          %mul3A_180 = arith.muli %add3A_178, %mul3A_179 : i32
          %add3A_181 = arith.addi %select_n3A, %mul3A_180 : i32
          %dma_start3A_182 = arith.constant 0 : i32
          %dma_start3A_183 = tpu.memref_slice %arg5[%dma_start3A_182, %add3A_181] : memref<32x1000000xf32, #tpu.memory_space<hbm>> -> memref<32x1024xf32, #tpu.memory_space<hbm>>
          %dma_start3A_184 = arith.constant 0 : i32
          %dma_start3A_185 = tpu.memref_slice %arg5[%dma_start3A_184, %add3A_181] : memref<32x1000000xf32, #tpu.memory_space<hbm>> -> memref<32x1024xf32, #tpu.memory_space<hbm>>
          tpu.enqueue_dma source(%dma_start3A_185 : memref<32x1024xf32, #tpu.memory_space<hbm>>) target(%arg11 : memref<32x1024xf32, #tpu.memory_space<vmem>>) target_semaphore(%arg18 : memref<!tpu.dma_semaphore, #tpu.memory_space<semaphore_mem>>)
        } else {
        }
        %mul3A_152 = arith.constant 1024 : i32
        %mul3A_153 = arith.muli %add3A_144, %mul3A_152 : i32
        %add3A_154 = arith.addi %select_n3A, %mul3A_153 : i32
        %dma_wait3A_155 = arith.constant 0 : i32
        %dma_wait3A_156 = tpu.memref_slice %arg5[%dma_wait3A_155, %add3A_154] : memref<32x1000000xf32, #tpu.memory_space<hbm>> -> memref<32x1024xf32, #tpu.memory_space<hbm>>
        %dma_wait3A_157 = arith.constant 0 : i32
        %dma_wait3A_158 = tpu.memref_slice %arg5[%dma_wait3A_157, %add3A_154] : memref<32x1000000xf32, #tpu.memory_space<hbm>> -> memref<32x1024xf32, #tpu.memory_space<hbm>>
        tpu.wait_dma2 semaphore(%arg19 : memref<!tpu.dma_semaphore, #tpu.memory_space<semaphore_mem>>) src(%dma_wait3A_158 : memref<32x1024xf32, #tpu.memory_space<hbm>>) dst(%arg12 : memref<32x1024xf32, #tpu.memory_space<vmem>>)
        %mul3A_159 = arith.constant 1024 : i32
        %mul3A_160 = arith.muli %add3A_144, %mul3A_159 : i32
        %get3A_161 = arith.index_cast %add3A_144 : i32 to index
        %get3A_162 = memref.load %arg16[%get3A_161] : memref<64xi32, #tpu.memory_space<smem>>
        %add3A_163 = arith.constant 1 : i32
        %add3A_164 = arith.addi %add3A_144, %add3A_163 : i32
        %get3A_165 = arith.index_cast %add3A_164 : i32 to index
        %get3A_166 = memref.load %arg16[%get3A_165] : memref<64xi32, #tpu.memory_space<smem>>
        %while3A_167 = arith.subi %get3A_166, %get3A_162 : i32
        %while3A_168 = arith.addi %get3A_162, %while3A_167 : i32
        %while3A_169 = arith.constant 1 : i32
        %while3A_170 = arith.divsi %while3A_167, %while3A_169 : i32
        %while3A_171 = arith.muli %while3A_170, %while3A_169 : i32
        %while3A_172 = arith.addi %get3A_162, %while3A_171 : i32
        %while3A_173 = arith.constant 1 : i32
        %while3A_174 = scf.for %while3A_177 = %get3A_162 to %while3A_172 step %while3A_173 iter_args(%while3A_178 = %while3A_140) -> (i32)  : i32 {
          %get3A_179 = arith.index_cast %while3A_177 : i32 to index
          %get3A_180 = tpu.vector_load %arg10[%get3A_179] {strides = array<i32>} : memref<16400xi32, #tpu.memory_space<vmem>>, vector<16xi32>,
          %slice3A = vector.extract_strided_slice %get3A_180 {offsets = [0], sizes = [1], strides = [1]} : vector<16xi32> to vector<1xi32>
          %squeeze3A = vector.extract %slice3A[0] : i32 from vector<1xi32>
          %shift_right_arithmetic3A = arith.constant 14 : i32
          %shift_right_arithmetic3A_181 = arith.shrsi %squeeze3A, %shift_right_arithmetic3A : i32
          %sub3A = arith.subi %shift_right_arithmetic3A_181, %mul3A_160 : i32
          %broadcast_in_dim3A = vector.broadcast %sub3A : i32 to vector<16xi32>
          %gather3A = tpu.vector_load_idx %arg12[%iota3A, %broadcast_in_dim3A] : memref<32x1024xf32, #tpu.memory_space<vmem>>[vector<16xi32>, vector<16xi32>], vector<16xf32>,
          %add3A_182 = arith.constant 16 : i32
          %add3A_183 = vector.broadcast %add3A_182 : i32 to vector<16xi32>
          %add3A_184 = arith.addi %iota3A, %add3A_183 : vector<16xi32>
          %gather3A_185 = tpu.vector_load_idx %arg12[%add3A_184, %broadcast_in_dim3A] : memref<32x1024xf32, #tpu.memory_space<vmem>>[vector<16xi32>, vector<16xi32>], vector<16xf32>,
          %swap3A = arith.index_cast %while3A_178 : i32 to index
          %swap3A_186 = arith.constant 0 : index
          %swap3A_187 = tpu.vector_load %arg14[%swap3A, %swap3A_186] {strides = array<i32>} : memref<128x128xf32, #tpu.memory_space<vmem>>, vector<16xf32>,
          tpu.vector_store %arg14[%swap3A, %swap3A_186], %gather3A {strides = array<i32>} : memref<128x128xf32, #tpu.memory_space<vmem>>, vector<16xf32>,
          %swap3A_188 = arith.index_cast %while3A_178 : i32 to index
          %swap3A_189 = arith.constant 16 : index
          %swap3A_190 = tpu.vector_load %arg14[%swap3A_188, %swap3A_189] {strides = array<i32>} : memref<128x128xf32, #tpu.memory_space<vmem>>, vector<16xf32>,
          tpu.vector_store %arg14[%swap3A_188, %swap3A_189], %gather3A_185 {strides = array<i32>} : memref<128x128xf32, #tpu.memory_space<vmem>>, vector<16xf32>,
          %broadcast_in_dim3A_191 = vector.broadcast %while3A_178 : i32 to vector<16xi32>
          %and3A = arith.constant 16383 : i32
          %and3A_192 = arith.andi %squeeze3A, %and3A : i32
          %broadcast_in_dim3A_193 = vector.broadcast %and3A_192 : i32 to vector<16xi32>
          tpu.vector_store_idx %arg15[%broadcast_in_dim3A_191], %broadcast_in_dim3A_193 masked %eq3A_9 : memref<128xi32, #tpu.memory_space<vmem>>[vector<16xi32>], vector<16xi32>, vector<16xi1>
          %add3A_194 = arith.constant 1 : i32
          %add3A_195 = arith.addi %while3A_178, %add3A_194 : i32
          %eq3A_196 = arith.constant 112 : i32
          %eq3A_197 = arith.cmpi eq, %add3A_195, %eq3A_196 : i32
          %convert_element_type3A_198 = arith.extui %eq3A_197 : i1 to i32
          %cond3A_199 = arith.constant 0 : i32
          %cond3A_200 = arith.cmpi ne, %convert_element_type3A_198, %cond3A_199 : i32
          scf.if %cond3A_200 {
            %dma_start3A_205 = arith.constant 0 : i32
            %dma_start3A_206 = arith.constant 0 : i32
            %dma_start3A_207 = tpu.memref_slice %arg7[%dma_start3A_205, %dma_start3A_206] : memref<16385x128xf32, #tpu.memory_space<hbm>> -> memref<16385x128xf32, #tpu.memory_space<hbm>>
            tpu.enqueue_indirect_dma source(%arg14 : memref<128x128xf32, #tpu.memory_space<vmem>>) target(%dma_start3A_207 : memref<16385x128xf32, #tpu.memory_space<hbm>>) offsets(%arg15 : memref<128xi32, #tpu.memory_space<vmem>>) semaphore(%arg20 : memref<!tpu.dma_semaphore, #tpu.memory_space<semaphore_mem>>)
            %dma_wait3A_208 = arith.constant 0 : i32
            %dma_wait3A_209 = arith.constant 0 : i32
            %dma_wait3A_210 = tpu.memref_slice %arg7[%dma_wait3A_208, %dma_wait3A_209] : memref<16385x128xf32, #tpu.memory_space<hbm>> -> memref<16385x128xf32, #tpu.memory_space<hbm>>
            tpu.wait_indirect_dma semaphore(%arg20 : memref<!tpu.dma_semaphore, #tpu.memory_space<semaphore_mem>>) src(%arg14 : memref<128x128xf32, #tpu.memory_space<vmem>>) dst(%dma_wait3A_210 : memref<16385x128xf32, #tpu.memory_space<hbm>>)
          } else {
          }
          %eq3A_201 = arith.constant 112 : i32
          %eq3A_202 = arith.cmpi eq, %add3A_195, %eq3A_201 : i32
          %jit3A_203 = arith.constant 0 : i32
          %select_n3A_204 = arith.select %eq3A_202, %jit3A_203, %add3A_195 : i32
          scf.yield %select_n3A_204 : i32
        }
        %while3A_175 = arith.constant 1 : i32
        %while3A_176 = scf.for %while3A_177 = %while3A_172 to %while3A_168 step %while3A_175 iter_args(%while3A_178 = %while3A_174) -> (i32)  : i32 {
          %get3A_179 = arith.index_cast %while3A_177 : i32 to index
          %get3A_180 = tpu.vector_load %arg10[%get3A_179] {strides = array<i32>} : memref<16400xi32, #tpu.memory_space<vmem>>, vector<16xi32>,
          %slice3A = vector.extract_strided_slice %get3A_180 {offsets = [0], sizes = [1], strides = [1]} : vector<16xi32> to vector<1xi32>
          %squeeze3A = vector.extract %slice3A[0] : i32 from vector<1xi32>
          %shift_right_arithmetic3A = arith.constant 14 : i32
          %shift_right_arithmetic3A_181 = arith.shrsi %squeeze3A, %shift_right_arithmetic3A : i32
          %sub3A = arith.subi %shift_right_arithmetic3A_181, %mul3A_160 : i32
          %broadcast_in_dim3A = vector.broadcast %sub3A : i32 to vector<16xi32>
          %gather3A = tpu.vector_load_idx %arg12[%iota3A, %broadcast_in_dim3A] : memref<32x1024xf32, #tpu.memory_space<vmem>>[vector<16xi32>, vector<16xi32>], vector<16xf32>,
          %add3A_182 = arith.constant 16 : i32
          %add3A_183 = vector.broadcast %add3A_182 : i32 to vector<16xi32>
          %add3A_184 = arith.addi %iota3A, %add3A_183 : vector<16xi32>
          %gather3A_185 = tpu.vector_load_idx %arg12[%add3A_184, %broadcast_in_dim3A] : memref<32x1024xf32, #tpu.memory_space<vmem>>[vector<16xi32>, vector<16xi32>], vector<16xf32>,
          %swap3A = arith.index_cast %while3A_178 : i32 to index
          %swap3A_186 = arith.constant 0 : index
          %swap3A_187 = tpu.vector_load %arg14[%swap3A, %swap3A_186] {strides = array<i32>} : memref<128x128xf32, #tpu.memory_space<vmem>>, vector<16xf32>,
          tpu.vector_store %arg14[%swap3A, %swap3A_186], %gather3A {strides = array<i32>} : memref<128x128xf32, #tpu.memory_space<vmem>>, vector<16xf32>,
          %swap3A_188 = arith.index_cast %while3A_178 : i32 to index
          %swap3A_189 = arith.constant 16 : index
          %swap3A_190 = tpu.vector_load %arg14[%swap3A_188, %swap3A_189] {strides = array<i32>} : memref<128x128xf32, #tpu.memory_space<vmem>>, vector<16xf32>,
          tpu.vector_store %arg14[%swap3A_188, %swap3A_189], %gather3A_185 {strides = array<i32>} : memref<128x128xf32, #tpu.memory_space<vmem>>, vector<16xf32>,
          %broadcast_in_dim3A_191 = vector.broadcast %while3A_178 : i32 to vector<16xi32>
          %and3A = arith.constant 16383 : i32
          %and3A_192 = arith.andi %squeeze3A, %and3A : i32
          %broadcast_in_dim3A_193 = vector.broadcast %and3A_192 : i32 to vector<16xi32>
          tpu.vector_store_idx %arg15[%broadcast_in_dim3A_191], %broadcast_in_dim3A_193 masked %eq3A_9 : memref<128xi32, #tpu.memory_space<vmem>>[vector<16xi32>], vector<16xi32>, vector<16xi1>
          %add3A_194 = arith.constant 1 : i32
          %add3A_195 = arith.addi %while3A_178, %add3A_194 : i32
          %eq3A_196 = arith.constant 112 : i32
          %eq3A_197 = arith.cmpi eq, %add3A_195, %eq3A_196 : i32
          %convert_element_type3A_198 = arith.extui %eq3A_197 : i1 to i32
          %cond3A_199 = arith.constant 0 : i32
          %cond3A_200 = arith.cmpi ne, %convert_element_type3A_198, %cond3A_199 : i32
          scf.if %cond3A_200 {
            %dma_start3A_205 = arith.constant 0 : i32
            %dma_start3A_206 = arith.constant 0 : i32
            %dma_start3A_207 = tpu.memref_slice %arg7[%dma_start3A_205, %dma_start3A_206] : memref<16385x128xf32, #tpu.memory_space<hbm>> -> memref<16385x128xf32, #tpu.memory_space<hbm>>
            tpu.enqueue_indirect_dma source(%arg14 : memref<128x128xf32, #tpu.memory_space<vmem>>) target(%dma_start3A_207 : memref<16385x128xf32, #tpu.memory_space<hbm>>) offsets(%arg15 : memref<128xi32, #tpu.memory_space<vmem>>) semaphore(%arg20 : memref<!tpu.dma_semaphore, #tpu.memory_space<semaphore_mem>>)
            %dma_wait3A_208 = arith.constant 0 : i32
            %dma_wait3A_209 = arith.constant 0 : i32
            %dma_wait3A_210 = tpu.memref_slice %arg7[%dma_wait3A_208, %dma_wait3A_209] : memref<16385x128xf32, #tpu.memory_space<hbm>> -> memref<16385x128xf32, #tpu.memory_space<hbm>>
            tpu.wait_indirect_dma semaphore(%arg20 : memref<!tpu.dma_semaphore, #tpu.memory_space<semaphore_mem>>) src(%arg14 : memref<128x128xf32, #tpu.memory_space<vmem>>) dst(%dma_wait3A_210 : memref<16385x128xf32, #tpu.memory_space<hbm>>)
          } else {
          }
          %eq3A_201 = arith.constant 112 : i32
          %eq3A_202 = arith.cmpi eq, %add3A_195, %eq3A_201 : i32
          %jit3A_203 = arith.constant 0 : i32
          %select_n3A_204 = arith.select %eq3A_202, %jit3A_203, %add3A_195 : i32
          scf.yield %select_n3A_204 : i32
        }
        scf.yield %while3A_176 : i32
      }
      %scan3A_78 = arith.constant 31 : i32
      %eq3A_79 = arith.constant 15 : i32
      %eq3A_80 = arith.cmpi eq, %arg1, %eq3A_79 : i32
      %convert_element_type3A_81 = arith.extui %eq3A_80 : i1 to i32
      %cond3A_82 = arith.constant 0 : i32
      %cond3A_83 = arith.cmpi ne, %convert_element_type3A_81, %cond3A_82 : i32
      scf.if %cond3A_83 {
        "tpu.region"() ({
          %run_scoped3A = tpu.sem_alloc : memref<!tpu.dma_semaphore, #tpu.memory_space<semaphore_mem>>
          %dma_start3A_104 = arith.constant 0 : i32
          %dma_start3A_105 = arith.constant 999936 : i32
          %dma_start3A_106 = tpu.memref_slice %arg5[%dma_start3A_104, %dma_start3A_105] : memref<32x1000000xf32, #tpu.memory_space<hbm>> -> memref<32x64xf32, #tpu.memory_space<hbm>>
          %dma_start3A_107 = arith.constant 0 : i32
          %dma_start3A_108 = arith.constant 999936 : i32
          %dma_start3A_109 = tpu.memref_slice %arg5[%dma_start3A_107, %dma_start3A_108] : memref<32x1000000xf32, #tpu.memory_space<hbm>> -> memref<32x64xf32, #tpu.memory_space<hbm>>
          tpu.enqueue_dma source(%dma_start3A_109 : memref<32x64xf32, #tpu.memory_space<hbm>>) target(%arg13 : memref<32x64xf32, #tpu.memory_space<vmem>>) target_semaphore(%run_scoped3A : memref<!tpu.dma_semaphore, #tpu.memory_space<semaphore_mem>>)
          %dma_wait3A_110 = arith.constant 0 : i32
          %dma_wait3A_111 = arith.constant 999936 : i32
          %dma_wait3A_112 = tpu.memref_slice %arg5[%dma_wait3A_110, %dma_wait3A_111] : memref<32x1000000xf32, #tpu.memory_space<hbm>> -> memref<32x64xf32, #tpu.memory_space<hbm>>
          %dma_wait3A_113 = arith.constant 0 : i32
          %dma_wait3A_114 = arith.constant 999936 : i32
          %dma_wait3A_115 = tpu.memref_slice %arg5[%dma_wait3A_113, %dma_wait3A_114] : memref<32x1000000xf32, #tpu.memory_space<hbm>> -> memref<32x64xf32, #tpu.memory_space<hbm>>
          tpu.wait_dma2 semaphore(%run_scoped3A : memref<!tpu.dma_semaphore, #tpu.memory_space<semaphore_mem>>) src(%dma_wait3A_115 : memref<32x64xf32, #tpu.memory_space<hbm>>) dst(%arg13 : memref<32x64xf32, #tpu.memory_space<vmem>>)
          tpu.yield
        }) : () -> ()
      } else {
      }
      %get3A = arith.constant 62 : i32
      %get3A_84 = arith.index_cast %get3A : i32 to index
      %get3A_85 = memref.load %arg16[%get3A_84] : memref<64xi32, #tpu.memory_space<smem>>
      %get3A_86 = arith.constant 63 : i32
      %get3A_87 = arith.index_cast %get3A_86 : i32 to index
      %get3A_88 = memref.load %arg16[%get3A_87] : memref<64xi32, #tpu.memory_space<smem>>
      %while3A_89 = arith.subi %get3A_88, %get3A_85 : i32
      %while3A_90 = arith.addi %get3A_85, %while3A_89 : i32
      %while3A_91 = arith.constant 1 : i32
      %while3A_92 = arith.divsi %while3A_89, %while3A_91 : i32
      %while3A_93 = arith.muli %while3A_92, %while3A_91 : i32
      %while3A_94 = arith.addi %get3A_85, %while3A_93 : i32
      %while3A_95 = arith.constant 1 : i32
      %while3A_96 = scf.for %while3A_104 = %get3A_85 to %while3A_94 step %while3A_95 iter_args(%while3A_105 = %scan3A_77) -> (i32)  : i32 {
        %get3A_106 = arith.index_cast %while3A_104 : i32 to index
        %get3A_107 = tpu.vector_load %arg10[%get3A_106] {strides = array<i32>} : memref<16400xi32, #tpu.memory_space<vmem>>, vector<16xi32>,
        %slice3A = vector.extract_strided_slice %get3A_107 {offsets = [0], sizes = [1], strides = [1]} : vector<16xi32> to vector<1xi32>
        %squeeze3A = vector.extract %slice3A[0] : i32 from vector<1xi32>
        %shift_right_arithmetic3A = arith.constant 14 : i32
        %shift_right_arithmetic3A_108 = arith.shrsi %squeeze3A, %shift_right_arithmetic3A : i32
        %sub3A = arith.constant 63488 : i32
        %sub3A_109 = arith.subi %shift_right_arithmetic3A_108, %sub3A : i32
        %broadcast_in_dim3A = vector.broadcast %sub3A_109 : i32 to vector<16xi32>
        %gather3A = tpu.vector_load_idx %arg13[%iota3A, %broadcast_in_dim3A] : memref<32x64xf32, #tpu.memory_space<vmem>>[vector<16xi32>, vector<16xi32>], vector<16xf32>,
        %add3A_110 = arith.constant 16 : i32
        %add3A_111 = vector.broadcast %add3A_110 : i32 to vector<16xi32>
        %add3A_112 = arith.addi %iota3A, %add3A_111 : vector<16xi32>
        %gather3A_113 = tpu.vector_load_idx %arg13[%add3A_112, %broadcast_in_dim3A] : memref<32x64xf32, #tpu.memory_space<vmem>>[vector<16xi32>, vector<16xi32>], vector<16xf32>,
        %swap3A = arith.index_cast %while3A_105 : i32 to index
        %swap3A_114 = arith.constant 0 : index
        %swap3A_115 = tpu.vector_load %arg14[%swap3A, %swap3A_114] {strides = array<i32>} : memref<128x128xf32, #tpu.memory_space<vmem>>, vector<16xf32>,
        tpu.vector_store %arg14[%swap3A, %swap3A_114], %gather3A {strides = array<i32>} : memref<128x128xf32, #tpu.memory_space<vmem>>, vector<16xf32>,
        %swap3A_116 = arith.index_cast %while3A_105 : i32 to index
        %swap3A_117 = arith.constant 16 : index
        %swap3A_118 = tpu.vector_load %arg14[%swap3A_116, %swap3A_117] {strides = array<i32>} : memref<128x128xf32, #tpu.memory_space<vmem>>, vector<16xf32>,
        tpu.vector_store %arg14[%swap3A_116, %swap3A_117], %gather3A_113 {strides = array<i32>} : memref<128x128xf32, #tpu.memory_space<vmem>>, vector<16xf32>,
        %broadcast_in_dim3A_119 = vector.broadcast %while3A_105 : i32 to vector<16xi32>
        %and3A = arith.constant 16383 : i32
        %and3A_120 = arith.andi %squeeze3A, %and3A : i32
        %broadcast_in_dim3A_121 = vector.broadcast %and3A_120 : i32 to vector<16xi32>
        tpu.vector_store_idx %arg15[%broadcast_in_dim3A_119], %broadcast_in_dim3A_121 masked %eq3A_9 : memref<128xi32, #tpu.memory_space<vmem>>[vector<16xi32>], vector<16xi32>, vector<16xi1>
        %add3A_122 = arith.constant 1 : i32
        %add3A_123 = arith.addi %while3A_105, %add3A_122 : i32
        %eq3A_124 = arith.constant 112 : i32
        %eq3A_125 = arith.cmpi eq, %add3A_123, %eq3A_124 : i32
        %convert_element_type3A_126 = arith.extui %eq3A_125 : i1 to i32
        %cond3A_127 = arith.constant 0 : i32
        %cond3A_128 = arith.cmpi ne, %convert_element_type3A_126, %cond3A_127 : i32
        scf.if %cond3A_128 {
          %dma_start3A_133 = arith.constant 0 : i32
          %dma_start3A_134 = arith.constant 0 : i32
          %dma_start3A_135 = tpu.memref_slice %arg7[%dma_start3A_133, %dma_start3A_134] : memref<16385x128xf32, #tpu.memory_space<hbm>> -> memref<16385x128xf32, #tpu.memory_space<hbm>>
          tpu.enqueue_indirect_dma source(%arg14 : memref<128x128xf32, #tpu.memory_space<vmem>>) target(%dma_start3A_135 : memref<16385x128xf32, #tpu.memory_space<hbm>>) offsets(%arg15 : memref<128xi32, #tpu.memory_space<vmem>>) semaphore(%arg20 : memref<!tpu.dma_semaphore, #tpu.memory_space<semaphore_mem>>)
          %dma_wait3A_136 = arith.constant 0 : i32
          %dma_wait3A_137 = arith.constant 0 : i32
          %dma_wait3A_138 = tpu.memref_slice %arg7[%dma_wait3A_136, %dma_wait3A_137] : memref<16385x128xf32, #tpu.memory_space<hbm>> -> memref<16385x128xf32, #tpu.memory_space<hbm>>
          tpu.wait_indirect_dma semaphore(%arg20 : memref<!tpu.dma_semaphore, #tpu.memory_space<semaphore_mem>>) src(%arg14 : memref<128x128xf32, #tpu.memory_space<vmem>>) dst(%dma_wait3A_138 : memref<16385x128xf32, #tpu.memory_space<hbm>>)
        } else {
        }
        %eq3A_129 = arith.constant 112 : i32
        %eq3A_130 = arith.cmpi eq, %add3A_123, %eq3A_129 : i32
        %jit3A_131 = arith.constant 0 : i32
        %select_n3A_132 = arith.select %eq3A_130, %jit3A_131, %add3A_123 : i32
        scf.yield %select_n3A_132 : i32
      }
      %while3A_97 = arith.constant 1 : i32
      %while3A_98 = scf.for %while3A_104 = %while3A_94 to %while3A_90 step %while3A_97 iter_args(%while3A_105 = %while3A_96) -> (i32)  : i32 {
        %get3A_106 = arith.index_cast %while3A_104 : i32 to index
        %get3A_107 = tpu.vector_load %arg10[%get3A_106] {strides = array<i32>} : memref<16400xi32, #tpu.memory_space<vmem>>, vector<16xi32>,
        %slice3A = vector.extract_strided_slice %get3A_107 {offsets = [0], sizes = [1], strides = [1]} : vector<16xi32> to vector<1xi32>
        %squeeze3A = vector.extract %slice3A[0] : i32 from vector<1xi32>
        %shift_right_arithmetic3A = arith.constant 14 : i32
        %shift_right_arithmetic3A_108 = arith.shrsi %squeeze3A, %shift_right_arithmetic3A : i32
        %sub3A = arith.constant 63488 : i32
        %sub3A_109 = arith.subi %shift_right_arithmetic3A_108, %sub3A : i32
        %broadcast_in_dim3A = vector.broadcast %sub3A_109 : i32 to vector<16xi32>
        %gather3A = tpu.vector_load_idx %arg13[%iota3A, %broadcast_in_dim3A] : memref<32x64xf32, #tpu.memory_space<vmem>>[vector<16xi32>, vector<16xi32>], vector<16xf32>,
        %add3A_110 = arith.constant 16 : i32
        %add3A_111 = vector.broadcast %add3A_110 : i32 to vector<16xi32>
        %add3A_112 = arith.addi %iota3A, %add3A_111 : vector<16xi32>
        %gather3A_113 = tpu.vector_load_idx %arg13[%add3A_112, %broadcast_in_dim3A] : memref<32x64xf32, #tpu.memory_space<vmem>>[vector<16xi32>, vector<16xi32>], vector<16xf32>,
        %swap3A = arith.index_cast %while3A_105 : i32 to index
        %swap3A_114 = arith.constant 0 : index
        %swap3A_115 = tpu.vector_load %arg14[%swap3A, %swap3A_114] {strides = array<i32>} : memref<128x128xf32, #tpu.memory_space<vmem>>, vector<16xf32>,
        tpu.vector_store %arg14[%swap3A, %swap3A_114], %gather3A {strides = array<i32>} : memref<128x128xf32, #tpu.memory_space<vmem>>, vector<16xf32>,
        %swap3A_116 = arith.index_cast %while3A_105 : i32 to index
        %swap3A_117 = arith.constant 16 : index
        %swap3A_118 = tpu.vector_load %arg14[%swap3A_116, %swap3A_117] {strides = array<i32>} : memref<128x128xf32, #tpu.memory_space<vmem>>, vector<16xf32>,
        tpu.vector_store %arg14[%swap3A_116, %swap3A_117], %gather3A_113 {strides = array<i32>} : memref<128x128xf32, #tpu.memory_space<vmem>>, vector<16xf32>,
        %broadcast_in_dim3A_119 = vector.broadcast %while3A_105 : i32 to vector<16xi32>
        %and3A = arith.constant 16383 : i32
        %and3A_120 = arith.andi %squeeze3A, %and3A : i32
        %broadcast_in_dim3A_121 = vector.broadcast %and3A_120 : i32 to vector<16xi32>
        tpu.vector_store_idx %arg15[%broadcast_in_dim3A_119], %broadcast_in_dim3A_121 masked %eq3A_9 : memref<128xi32, #tpu.memory_space<vmem>>[vector<16xi32>], vector<16xi32>, vector<16xi1>
        %add3A_122 = arith.constant 1 : i32
        %add3A_123 = arith.addi %while3A_105, %add3A_122 : i32
        %eq3A_124 = arith.constant 112 : i32
        %eq3A_125 = arith.cmpi eq, %add3A_123, %eq3A_124 : i32
        %convert_element_type3A_126 = arith.extui %eq3A_125 : i1 to i32
        %cond3A_127 = arith.constant 0 : i32
        %cond3A_128 = arith.cmpi ne, %convert_element_type3A_126, %cond3A_127 : i32
        scf.if %cond3A_128 {
          %dma_start3A_133 = arith.constant 0 : i32
          %dma_start3A_134 = arith.constant 0 : i32
          %dma_start3A_135 = tpu.memref_slice %arg7[%dma_start3A_133, %dma_start3A_134] : memref<16385x128xf32, #tpu.memory_space<hbm>> -> memref<16385x128xf32, #tpu.memory_space<hbm>>
          tpu.enqueue_indirect_dma source(%arg14 : memref<128x128xf32, #tpu.memory_space<vmem>>) target(%dma_start3A_135 : memref<16385x128xf32, #tpu.memory_space<hbm>>) offsets(%arg15 : memref<128xi32, #tpu.memory_space<vmem>>) semaphore(%arg20 : memref<!tpu.dma_semaphore, #tpu.memory_space<semaphore_mem>>)
          %dma_wait3A_136 = arith.constant 0 : i32
          %dma_wait3A_137 = arith.constant 0 : i32
          %dma_wait3A_138 = tpu.memref_slice %arg7[%dma_wait3A_136, %dma_wait3A_137] : memref<16385x128xf32, #tpu.memory_space<hbm>> -> memref<16385x128xf32, #tpu.memory_space<hbm>>
          tpu.wait_indirect_dma semaphore(%arg20 : memref<!tpu.dma_semaphore, #tpu.memory_space<semaphore_mem>>) src(%arg14 : memref<128x128xf32, #tpu.memory_space<vmem>>) dst(%dma_wait3A_138 : memref<16385x128xf32, #tpu.memory_space<hbm>>)
        } else {
        }
        %eq3A_129 = arith.constant 112 : i32
        %eq3A_130 = arith.cmpi eq, %add3A_123, %eq3A_129 : i32
        %jit3A_131 = arith.constant 0 : i32
        %select_n3A_132 = arith.select %eq3A_130, %jit3A_131, %add3A_123 : i32
        scf.yield %select_n3A_132 : i32
      }
      %dma_start3A_99 = arith.constant 0 : i32
      %dma_start3A_100 = arith.constant 0 : i32
      %dma_start3A_101 = tpu.memref_slice %arg7[%dma_start3A_99, %dma_start3A_100] : memref<16385x128xf32, #tpu.memory_space<hbm>> -> memref<16385x128xf32, #tpu.memory_space<hbm>>
      tpu.enqueue_indirect_dma source(%arg14 : memref<128x128xf32, #tpu.memory_space<vmem>>) target(%dma_start3A_101 : memref<16385x128xf32, #tpu.memory_space<hbm>>) offsets(%arg15 : memref<128xi32, #tpu.memory_space<vmem>>) semaphore(%arg20 : memref<!tpu.dma_semaphore, #tpu.memory_space<semaphore_mem>>)
      %dma_wait3A = arith.constant 0 : i32
      %dma_wait3A_102 = arith.constant 0 : i32
      %dma_wait3A_103 = tpu.memref_slice %arg7[%dma_wait3A, %dma_wait3A_102] : memref<16385x128xf32, #tpu.memory_space<hbm>> -> memref<16385x128xf32, #tpu.memory_space<hbm>>
      tpu.wait_indirect_dma semaphore(%arg20 : memref<!tpu.dma_semaphore, #tpu.memory_space<semaphore_mem>>) src(%arg14 : memref<128x128xf32, #tpu.memory_space<vmem>>) dst(%dma_wait3A_103 : memref<16385x128xf32, #tpu.memory_space<hbm>>)
    } else {
    }
    return
  }
}

module attributes {stable_mosaic.version = 14 : i64} {
  func.func @_mlp_body(%arg0: i32, %arg1: memref<2048x128xf32, #tpu.memory_space<vmem>>, %arg2: memref<2048x128xf32, #tpu.memory_space<vmem>>, %arg3: memref<32x64xf32, #tpu.memory_space<vmem>>, %arg4: memref<32x64xf32, #tpu.memory_space<vmem>>, %arg5: memref<1x64xf32, #tpu.memory_space<vmem>>, %arg6: memref<64x32xf32, #tpu.memory_space<vmem>>, %arg7: memref<1x32xf32, #tpu.memory_space<vmem>>, %arg8: memref<32x16xf32, #tpu.memory_space<vmem>>, %arg9: memref<1x16xf32, #tpu.memory_space<vmem>>, %arg10: memref<1x16xf32, #tpu.memory_space<vmem>>, %arg11: memref<1xf32, #tpu.memory_space<vmem>>, %arg12: memref<2048xf32, #tpu.memory_space<vmem>>) attributes {dimension_semantics = [#tpu.dimension_semantics<arbitrary>], iteration_bounds = array<i64: 8>, scalar_prefetch = 0 : i64, scratch_operands = 0 : i64, tpu.core_type = #tpu.core_type<tc>, window_params = [{transform_indices = @transform_0, window_bounds = array<i64: 2048, 128>}, {transform_indices = @transform_1, window_bounds = array<i64: 2048, 128>}, {pipeline_mode = #tpu.pipeline_mode<synchronous>, transform_indices = @transform_2, window_bounds = array<i64: 32, 64>}, {pipeline_mode = #tpu.pipeline_mode<synchronous>, transform_indices = @transform_3, window_bounds = array<i64: 32, 64>}, {pipeline_mode = #tpu.pipeline_mode<synchronous>, transform_indices = @transform_4, window_bounds = array<i64: 1, 64>}, {pipeline_mode = #tpu.pipeline_mode<synchronous>, transform_indices = @transform_5, window_bounds = array<i64: 64, 32>}, {pipeline_mode = #tpu.pipeline_mode<synchronous>, transform_indices = @transform_6, window_bounds = array<i64: 1, 32>}, {pipeline_mode = #tpu.pipeline_mode<synchronous>, transform_indices = @transform_7, window_bounds = array<i64: 32, 16>}, {pipeline_mode = #tpu.pipeline_mode<synchronous>, transform_indices = @transform_8, window_bounds = array<i64: 1, 16>}, {pipeline_mode = #tpu.pipeline_mode<synchronous>, transform_indices = @transform_9, window_bounds = array<i64: 1, 16>}, {pipeline_mode = #tpu.pipeline_mode<synchronous>, transform_indices = @transform_10, window_bounds = array<i64: 1>}, {transform_indices = @transform_11, window_bounds = array<i64: 2048>}]} {
    %get3A = arith.constant 0 : index
    %get3A_0 = arith.constant 0 : index
    %get3A_1 = vector.load %arg1[%get3A, %get3A_0] : memref<2048x128xf32, #tpu.memory_space<vmem>>, vector<2048x32xf32>
    %get3A_2 = arith.constant 0 : index
    %get3A_3 = arith.constant 0 : index
    %get3A_4 = vector.load %arg2[%get3A_2, %get3A_3] : memref<2048x128xf32, #tpu.memory_space<vmem>>, vector<2048x32xf32>
    %get3A_5 = arith.constant 0 : index
    %get3A_6 = arith.constant 0 : index
    %get3A_7 = vector.load %arg3[%get3A_5, %get3A_6] : memref<32x64xf32, #tpu.memory_space<vmem>>, vector<32x64xf32>
    %dot_general3A = arith.constant dense<0.000000e+00> : vector<2048x64xf32>
    %dot_general3A_8 = tpu.matmul %get3A_1, %get3A_7, %dot_general3A {dimension_numbers = #tpu.dot_dimension_numbers<[1], [0], [0], [1], [0, 0, 1, 1], [], []>, transpose_lhs_hint = false} : vector<2048x32xf32>, vector<32x64xf32>, vector<2048x64xf32> -> vector<2048x64xf32>
    %get3A_9 = arith.constant 0 : index
    %get3A_10 = arith.constant 0 : index
    %get3A_11 = vector.load %arg4[%get3A_9, %get3A_10] : memref<32x64xf32, #tpu.memory_space<vmem>>, vector<32x64xf32>
    %dot_general3A_12 = arith.constant dense<0.000000e+00> : vector<2048x64xf32>
    %dot_general3A_13 = tpu.matmul %get3A_4, %get3A_11, %dot_general3A_12 {dimension_numbers = #tpu.dot_dimension_numbers<[1], [0], [0], [1], [0, 0, 1, 1], [], []>, transpose_lhs_hint = false} : vector<2048x32xf32>, vector<32x64xf32>, vector<2048x64xf32> -> vector<2048x64xf32>
    %add3A = arith.addf %dot_general3A_8, %dot_general3A_13 : vector<2048x64xf32>
    %get3A_14 = arith.constant 0 : index
    %get3A_15 = arith.constant 0 : index
    %get3A_16 = vector.load %arg5[%get3A_14, %get3A_15] : memref<1x64xf32, #tpu.memory_space<vmem>>, vector<1x64xf32>
    %add3A_17 = vector.broadcast %get3A_16 : vector<1x64xf32> to vector<2048x64xf32>
    %add3A_18 = arith.addf %add3A, %add3A_17 : vector<2048x64xf32>
    %max3A = arith.constant 0.000000e+00 : f32
    %max3A_19 = vector.broadcast %max3A : f32 to vector<2048x64xf32>
    %max3A_20 = arith.maximumf %add3A_18, %max3A_19 : vector<2048x64xf32>
    %get3A_21 = arith.constant 0 : index
    %get3A_22 = arith.constant 0 : index
    %get3A_23 = vector.load %arg6[%get3A_21, %get3A_22] : memref<64x32xf32, #tpu.memory_space<vmem>>, vector<64x32xf32>
    %dot_general3A_24 = arith.constant dense<0.000000e+00> : vector<2048x32xf32>
    %dot_general3A_25 = tpu.matmul %max3A_20, %get3A_23, %dot_general3A_24 {dimension_numbers = #tpu.dot_dimension_numbers<[1], [0], [0], [1], [0, 0, 1, 1], [], []>, transpose_lhs_hint = false} : vector<2048x64xf32>, vector<64x32xf32>, vector<2048x32xf32> -> vector<2048x32xf32>
    %get3A_26 = arith.constant 0 : index
    %get3A_27 = arith.constant 0 : index
    %get3A_28 = vector.load %arg7[%get3A_26, %get3A_27] : memref<1x32xf32, #tpu.memory_space<vmem>>, vector<1x32xf32>
    %add3A_29 = vector.broadcast %get3A_28 : vector<1x32xf32> to vector<2048x32xf32>
    %add3A_30 = arith.addf %dot_general3A_25, %add3A_29 : vector<2048x32xf32>
    %max3A_31 = arith.constant 0.000000e+00 : f32
    %max3A_32 = vector.broadcast %max3A_31 : f32 to vector<2048x32xf32>
    %max3A_33 = arith.maximumf %add3A_30, %max3A_32 : vector<2048x32xf32>
    %get3A_34 = arith.constant 0 : index
    %get3A_35 = arith.constant 0 : index
    %get3A_36 = vector.load %arg8[%get3A_34, %get3A_35] : memref<32x16xf32, #tpu.memory_space<vmem>>, vector<32x16xf32>
    %dot_general3A_37 = arith.constant dense<0.000000e+00> : vector<2048x16xf32>
    %dot_general3A_38 = tpu.matmul %max3A_33, %get3A_36, %dot_general3A_37 {dimension_numbers = #tpu.dot_dimension_numbers<[1], [0], [0], [1], [0, 0, 1, 1], [], []>, transpose_lhs_hint = false} : vector<2048x32xf32>, vector<32x16xf32>, vector<2048x16xf32> -> vector<2048x16xf32>
    %get3A_39 = arith.constant 0 : index
    %get3A_40 = arith.constant 0 : index
    %get3A_41 = vector.load %arg9[%get3A_39, %get3A_40] : memref<1x16xf32, #tpu.memory_space<vmem>>, vector<1x16xf32>
    %add3A_42 = vector.broadcast %get3A_41 : vector<1x16xf32> to vector<2048x16xf32>
    %add3A_43 = arith.addf %dot_general3A_38, %add3A_42 : vector<2048x16xf32>
    %max3A_44 = arith.constant 0.000000e+00 : f32
    %max3A_45 = vector.broadcast %max3A_44 : f32 to vector<2048x16xf32>
    %max3A_46 = arith.maximumf %add3A_43, %max3A_45 : vector<2048x16xf32>
    %get3A_47 = arith.constant 0 : index
    %get3A_48 = arith.constant 0 : index
    %get3A_49 = vector.load %arg10[%get3A_47, %get3A_48] : memref<1x16xf32, #tpu.memory_space<vmem>>, vector<1x16xf32>
    %mul3A = vector.broadcast %get3A_49 : vector<1x16xf32> to vector<2048x16xf32>
    %mul3A_50 = arith.mulf %max3A_46, %mul3A : vector<2048x16xf32>
    %reduce_sum3A = arith.constant dense<0.000000e+00> : vector<2048xf32>
    %reduce_sum3A_51 = vector.multi_reduction <add>, %mul3A_50, %reduce_sum3A [1] : vector<2048x16xf32> to vector<2048xf32>
    %get3A_52 = arith.constant 0 : index
    %get3A_53 = vector.load %arg11[%get3A_52] : memref<1xf32, #tpu.memory_space<vmem>>, vector<1xf32>
    %get3A_54 = vector.extract %get3A_53[0] : f32 from vector<1xf32>
    %add3A_55 = vector.broadcast %get3A_54 : f32 to vector<2048xf32>
    %add3A_56 = arith.addf %reduce_sum3A_51, %add3A_55 : vector<2048xf32>
    %swap3A = arith.constant 0 : index
    %swap3A_57 = vector.load %arg12[%swap3A] : memref<2048xf32, #tpu.memory_space<vmem>>, vector<2048xf32>
    tpu.vector_store %arg12[%swap3A], %add3A_56 {strides = array<i32>} : memref<2048xf32, #tpu.memory_space<vmem>>, vector<2048xf32>,
    return
  }
  func.func @transform_0(%arg0: i32) -> (i32, i32) {
    %c0_i32 = arith.constant 0 : i32
    %c0_i32_0 = arith.constant 0 : i32
    return %arg0, %c0_i32 : i32, i32
  }
  func.func @transform_1(%arg0: i32) -> (i32, i32) {
    %c0_i32 = arith.constant 0 : i32
    %c0_i32_0 = arith.constant 0 : i32
    return %arg0, %c0_i32 : i32, i32
  }
  func.func @transform_2(%arg0: i32) -> (i32, i32) {
    %c0_i32 = arith.constant 0 : i32
    %c0_i32_0 = arith.constant 0 : i32
    %c0_i32_1 = arith.constant 0 : i32
    return %c0_i32, %c0_i32_0 : i32, i32
  }
  func.func @transform_3(%arg0: i32) -> (i32, i32) {
    %c0_i32 = arith.constant 0 : i32
    %c0_i32_0 = arith.constant 0 : i32
    %c0_i32_1 = arith.constant 0 : i32
    return %c0_i32, %c0_i32_0 : i32, i32
  }
  func.func @transform_4(%arg0: i32) -> (i32, i32) {
    %c0_i32 = arith.constant 0 : i32
    %c0_i32_0 = arith.constant 0 : i32
    %c0_i32_1 = arith.constant 0 : i32
    return %c0_i32, %c0_i32_0 : i32, i32
  }
  func.func @transform_5(%arg0: i32) -> (i32, i32) {
    %c0_i32 = arith.constant 0 : i32
    %c0_i32_0 = arith.constant 0 : i32
    %c0_i32_1 = arith.constant 0 : i32
    return %c0_i32, %c0_i32_0 : i32, i32
  }
  func.func @transform_6(%arg0: i32) -> (i32, i32) {
    %c0_i32 = arith.constant 0 : i32
    %c0_i32_0 = arith.constant 0 : i32
    %c0_i32_1 = arith.constant 0 : i32
    return %c0_i32, %c0_i32_0 : i32, i32
  }
  func.func @transform_7(%arg0: i32) -> (i32, i32) {
    %c0_i32 = arith.constant 0 : i32
    %c0_i32_0 = arith.constant 0 : i32
    %c0_i32_1 = arith.constant 0 : i32
    return %c0_i32, %c0_i32_0 : i32, i32
  }
  func.func @transform_8(%arg0: i32) -> (i32, i32) {
    %c0_i32 = arith.constant 0 : i32
    %c0_i32_0 = arith.constant 0 : i32
    %c0_i32_1 = arith.constant 0 : i32
    return %c0_i32, %c0_i32_0 : i32, i32
  }
  func.func @transform_9(%arg0: i32) -> (i32, i32) {
    %c0_i32 = arith.constant 0 : i32
    %c0_i32_0 = arith.constant 0 : i32
    %c0_i32_1 = arith.constant 0 : i32
    return %c0_i32, %c0_i32_0 : i32, i32
  }
  func.func @transform_10(%arg0: i32) -> i32 {
    %c0_i32 = arith.constant 0 : i32
    %c0_i32_0 = arith.constant 0 : i32
    return %c0_i32 : i32
  }
  func.func @transform_11(%arg0: i32) -> i32 {
    %c0_i32 = arith.constant 0 : i32
    return %arg0 : i32
  }
}

</mosaic_0001>

<sc_bundles>
// kernel: kernel.4.cloned.1.call-start
scs
__scs_entry_jumppad:
0x0: {  	(pc) =	sbr.rel $0x88, $3  }
0x1: {  	(tag) =	ssettag $0x0;
	lr =	simm.s32 $0x1  }
0x2: {  	[smem:$0x3F95] =	sst lr;
	_ =	strace $0xD0000000  }
0x3: {  	_ = 	snop  }
0x4: {  	_ = 	snop  }
0x5: {  	_ = 	snop  }
0x6: {  	_ = 	snop  }
0x7: {  	_ = 	snop  }
__scs_overlays_trampoline_lowered:
0x8: {  	[smem:$0x3FA4] =	sst s0  }
0x9: {  	[smem:$0x3FA5] =	sst s1  }
0xa: {  	[smem:$0x3FA6] =	sst s2  }
0xb: {  	[smem:$0x3FA7] =	sst s3  }
0xc: {  	[smem:$0x3FA8] =	sst s4  }
0xd: {  	[smem:$0x3FA9] =	sst s5  }
0xe: {  	[smem:$0x3FAA] =	sst s6  }
0xf: {  	[smem:$0x3FAB] =	sst s7  }
0x10: {  	[smem:$0x3FAC] =	sst s8  }
0x11: {  	[smem:$0x3FAD] =	sst s9;
	s0 =	simm.s32 @!p0 $0x0  }
0x12: {  	s1 =	sld [smem:$0x3F93];
	s0 =	simm.s32 @p0 $0x1  }
0x13: {  	[smem:$0x3FAE] =	sst s0;
	s0 =	simm.s32 @!p1 $0x0  }
0x14: {  	s2 =	sld [smem:$0x3F92];
	s0 =	simm.s32 @p1 $0x1  }
0x15: {  	[smem:$0x3FAF] =	sst s0;
	s0 =	simm.s32 @!p2 $0x0  }
0x16: {  	s3 =	sld [smem:$0x3FDB];
	s0 =	simm.s32 @p2 $0x1  }
0x17: {  	s4 =	simm.s32 $0x1BF5;
	[smem:$0x3FB1] =	sst s0  }
0x18: {  	s0 =	sld [smem:$0x3F94];
	_ =	swait.ge [sflag:s4], $0x0  }
0x19: {  	s7 =	sld [smem:$0x3F95]  }
0x1a: {  	s8 =	sadd.s32 $0xFFFFE003, lr  }
0x1b: {  	s9 =	sadd.s32 $0xFFFFFEF7, lr;
	s5 =	simm.s32 $0xFFFFFFFF;
	p2 =	slt.u32 s8, $0xFFFFF086  }
0x1c: {  	p1 =	slt.u32 s9, $0xF7A;
	s5 =	simm.s32 @!p2 $0x0  }
0x1d: {  	s5 =	simm.s32 @p1 $0x1;
	p0 =	seq.s32 s7, s2  }
0x1e: {  	s7 =	smul.u32 @!p0 $0xF7A, s2;
	p2 =	seq.s32 @!p0 s5, $0x0  }
0x1f: {  	s9 =	smul.u32 $0xF7A, s1;
	s8 =	simm.s32 @!p0 $0x1BF5;
	p2 =	por !p2, p0  }
0x20: {  	[sflag:s8] =	ssyncset.s32 @!p0 $0xFFFFF086;
	s6 =	sadd.s32 @!p0 s3, s7;
	s7 =	simm.s32 @!p0 $0x108  }
0x21: {  	s3 =	sadd.s32 s3, s9;
	s6 =	sadd.s32 @!p0 $0x88, s6;
	s7 =	simm.s32 @p2 $0x1082  }
0x22: {  	[simem:s7], [sflag:s8] =	dma.local @!p0 [hbm:s6], $0xF7A  }
0x23: {  	s9 =	sor.u32 $0xD0000000, s2;
	s6 =	simm.s32 $0x108;
	_ =	swait.ge @!p0 [sflag:s8], $0x0  }
0x24: {  	s3 =	sadd.s32 $0x88, s3;
	s6 =	simm.s32 @!p1 $0x1082;
	[sflag:s4] =	ssyncset.s32 $0xFFFFF086  }
0x25: {  	[simem:s6], [sflag:s4] =	dma.local [hbm:s3], $0xF7A  }
0x26: {  	[smem:$0x3F95] =	sst s1;
	(tag) =	ssettag s2;
	_ =	strace s9  }
0x27: {  	s1 =	sld [smem:$0x3FA5]  }
0x28: {  	s2 =	sld [smem:$0x3FA6]  }
0x29: {  	s4 =	sld [smem:$0x3FA8]  }
0x2a: {  	p0 =	seq.s32 s5, $0x0;
	s5 =	sld [smem:$0x3FA9]  }
0x2b: {  	s6 =	sld [smem:$0x3FAA]  }
0x2c: {  	s7 =	sld [smem:$0x3FAB]  }
0x2d: {  	s3 =	simm.s32 $0x108;
	s8 =	sld [smem:$0x3FAC]  }
0x2e: {  	s3 =	simm.s32 @!p0 $0x1082;
	s9 =	sld [smem:$0x3FAD]  }
0x2f: {  	lr =	sadd.s32 s0, s3;
	s0 =	sld [smem:$0x3FA4]  }
0x30: {  	s3 =	sld [smem:$0x3FA7]  }
0x31: {  	[smem:$0x3FB0] =	sst s10  }
0x32: {  	s10 =	sld [smem:$0x3FAE];
	_ =	sdelay $0x3  }
0x33: {  	p0 =	seq.s32 s10, $0x1;
	s10 =	sld [smem:$0x3FB0];
	_ =	sdelay $0x3  }
0x34: {  	[smem:$0x3FB0] =	sst s10  }
0x35: {  	s10 =	sld [smem:$0x3FAF];
	_ =	sdelay $0x3  }
0x36: {  	p1 =	seq.s32 s10, $0x1;
	s10 =	sld [smem:$0x3FB0];
	_ =	sdelay $0x3  }
0x37: {  	[smem:$0x3FB0] =	sst s10  }
0x38: {  	s10 =	sld [smem:$0x3FB1]  }
0x39: {  	_ = 	snop;
	(pc) =	sbr.ind lr, $3  }
0x3a: {  	_ = 	snop  }
0x3b: {  	_ = 	snop  }
0x3c: {  	p2 =	seq.s32 s10, $0x1;
	s10 =	sld [smem:$0x3FB0]  }
0x3d: {  	_ =	shalt  }
0x3e: {  	_ =	shalt  }
0x3f: {  	_ =	shalt  }
0x40: {  	_ =	shalt  }
0x41: {  	_ =	shalt  }
0x42: {  	_ =	shalt  }
0x43: {  	_ =	shalt  }
0x44: {  	_ =	shalt  }
0x45: {  	_ =	shalt  }
0x46: {  	_ =	shalt  }
0x47: {  	_ =	shalt  }
0x48: {  	_ =	shalt  }
0x49: {  	_ =	shalt  }
0x4a: {  	_ =	shalt  }
0x4b: {  	_ =	shalt  }
0x4c: {  	_ =	shalt  }
0x4d: {  	_ =	shalt  }
0x4e: {  	_ =	shalt  }
0x4f: {  	_ =	shalt  }
0x50: {  	_ =	shalt  }
0x51: {  	_ =	shalt  }
0x52: {  	_ =	shalt  }
0x53: {  	_ =	shalt  }
0x54: {  	_ =	shalt  }
0x55: {  	_ =	shalt  }
0x56: {  	_ =	shalt  }
0x57: {  	_ =	shalt  }
0x58: {  	_ =	shalt  }
0x59: {  	_ =	shalt  }
0x5a: {  	_ =	shalt  }
0x5b: {  	_ =	shalt  }
0x5c: {  	_ =	shalt  }
0x5d: {  	_ =	shalt  }
0x5e: {  	_ =	shalt  }
0x5f: {  	_ =	shalt  }
0x60: {  	_ =	shalt  }
0x61: {  	_ =	shalt  }
0x62: {  	_ =	shalt  }
0x63: {  	_ =	shalt  }
0x64: {  	_ =	shalt  }
0x65: {  	_ =	shalt  }
0x66: {  	_ =	shalt  }
0x67: {  	_ =	shalt  }
0x68: {  	_ =	shalt  }
0x69: {  	_ =	shalt  }
0x6a: {  	_ =	shalt  }
0x6b: {  	_ =	shalt  }
0x6c: {  	_ =	shalt  }
0x6d: {  	_ =	shalt  }
0x6e: {  	_ =	shalt  }
0x6f: {  	_ =	shalt  }
0x70: {  	_ =	shalt  }
0x71: {  	_ =	shalt  }
0x72: {  	_ =	shalt  }
0x73: {  	_ =	shalt  }
0x74: {  	_ =	shalt  }
0x75: {  	_ =	shalt  }
0x76: {  	_ =	shalt  }
0x77: {  	_ =	shalt  }
0x78: {  	_ =	shalt  }
0x79: {  	_ =	shalt  }
0x7a: {  	_ =	shalt  }
0x7b: {  	_ =	shalt  }
0x7c: {  	_ =	shalt  }
0x7d: {  	_ =	shalt  }
0x7e: {  	_ =	shalt  }
0x7f: {  	_ =	shalt  }
0x80: {  	_ =	shalt  }
0x81: {  	_ =	shalt  }
0x82: {  	_ =	shalt  }
0x83: {  	_ =	shalt  }
0x84: {  	_ =	shalt  }
0x85: {  	_ =	shalt  }
0x86: {  	_ =	shalt  }
0x87: {  	_ =	shalt  }
.Lfunc_end0:
.L_simem_size_0:
called_computation_lowered:
.L_overlay_start_0:
0x88: {  	s2 =	sld [smem:$0x3FD9]  }
0x89: {  	s3 =	sld [smem:$0x3FFE];
	_ =	sdelay $0x1  }
0x8a: {  	s1 =	srdreg.scid  }
0x8b: {  	s0 =	sand.u32 $0x1, s1  }
0x8c: {  	s17 =	sshll.u32 s0, $0xA;
	s2 =	sadd.s32 s3, s2  }
0x8d: {  	s2 =	sadd.s32 s2, s17  }
0x8e: {  	[smem:$0x3FBC] =	sst s2  }
0x8f: {  	_ = 	snop  }
0x90: {  	s2 =	sld [smem:$0x3FC9]  }
0x91: {  	s18 =	sld [smem:$0x3FC8]  }
0x92: {  	s4 =	sld [smem:$0x3FC7]  }
0x93: {  	s5 =	sld [smem:$0x3FC6];
	(tm) =	ssettm $0x1  }
0x94: {  	s6 =	sld [smem:$0x3FFB];
	_ =	sdelay $0x3  }
0x95: {  	_ =	strace s6  }
0x96: {  	s6 =	sld [smem:$0x3FFC];
	_ =	sdelay $0x3  }
0x97: {  	_ =	strace s6  }
0x98: {  	s6 =	sld [smem:$0x3FFD];
	_ =	sdelay $0x3  }
0x99: {  	_ =	strace s6  }
0x9a: {  	_ =	strace $0x8FFFFFFF  }
0x9b: {  	s19 =	sld [smem:$0x3FDB];
	_ =	sdelay $0x1  }
0x9c: {  	s7 =	simm.s32 $_scs_section_size  }
0x9d: {  	s8 =	simm.s32 $_size__tile_overlayer_lowered;
	s9 =	simm.s32 $_tile_overlayer_lowered  }
0x9e: {  	s22 =	simm.s32 $0x1BFF;
	s21 =	sshll.u32 s9, $0x1;
	s6 =	sadd.s32 s7, s19  }
0x9f: {  	s10 =	simm.s32 $0x0;
	s20 =	sshll.u32 s8, $0x1;
	s8 =	sadd.s32 s21, s6  }
0xa0: {  	[timem:s10], [sflag:s22] =	dma.local [hbm:s8], s20  }
0xa1: {  	_ =	swait.ge [sflag:s22], s20  }
0xa2: {  	s7 =	ssub.s32 $0x0, s20;
	[sflag:s22] =	ssyncset.done $0x0  }
0xa3: {  	[sflag:s22] =	ssyncadd.s32 s7;
	_ =	sdelay $0x1  }
0xa4: {  	s23 =	simm.s32 $0x1B8B  }
0xa5: {  	_ =	swait.ge [sflag:s23], $0x1  }
0xa6: {  	[sflag:s23] =	ssyncset.done $0x0  }
0xa7: {  	s25 =	simm.s32 $0x1B8E;
	s24 =	sld [smem:$0x3FFE];
	[sflag:s23] =	ssyncadd.s32 $0xFFFFFFFF  }
0xa8: {  	s26 =	simm.s32 $execute0_lowered;
	[smem:$0x3FD2] =	sst s25  }
0xa9: {  	s8 =	sshll.u32 s26, $0x1;
	_ =	strace $0x80000046;
	[dreg:$0x1] =	wrdreg $0xFFFFFFFF  }
0xaa: {  	s28 =	simm.s32 $_size_execute0_lowered;
	s6 =	sadd.s32 s6, s8;
	[dreg:$0x0] =	wrdreg $0x0  }
0xab: {  	s8 =	sshll.u32 s28, $0x1;
	[dreg:$0x2] =	wrdreg s6  }
0xac: {  	[dreg:$0x3] =	wrdreg s8  }
0xad: {  	[dreg:$0x4] =	wrdreg $0xC0  }
0xae: {  	_ =	task [dreg:s10], $0x5FFFF  }
0xaf: {  	[dreg:$0x1] =	wrdreg $0xFFFFFFFF  }
0xb0: {  	[dreg:$0x0] =	wrdreg $0x60  }
0xb1: {  	[dreg:$0x2] =	wrdreg s2  }
0xb2: {  	[dreg:$0x3] =	wrdreg s18  }
0xb3: {  	[dreg:$0x4] =	wrdreg s4  }
0xb4: {  	[dreg:$0x5] =	wrdreg s5  }
0xb5: {  	[dreg:$0x6] =	wrdreg s24  }
0xb6: {  	[dreg:$0x7] =	wrdreg $0x9  }
0xb7: {  	_ =	task.clear_ibuf [dreg:s10], $0x8FFFF;
	_ =	strace $0x90000046  }
0xb8: {  	s29 =	simm.s32 $0x9;
	_ =	strace $0x80000048  }
0xb9: {  	_ =	swait.ge [sflag:s29], $0x1  }
0xba: {  	[sflag:s29] =	ssyncadd.s32 $0xFFFFFFFF  }
0xbb: {  	_ =	strace $0x90000048  }
0xbc: {  	_ =	sfence  }
0xbd: {  	s30 =	sld [smem:$0x0];
	_ =	sdelay $0x2  }
0xbe: {  	s31 =	sshll.u32 s1, $0xD;
	s1 =	sshrl.u32 s1, $0x2  }
0xbf: {  	s3 =	sand.u32 $0x4000, s31;
	s1 =	sadd.s32 s1, s30  }
0xc0: {  	s0 =	sor.u32 s3, s0;
	s1 =	sshll.u32 s1, $0x11  }
0xc1: {  	s0 =	sor.u32 s1, s0  }
0xc2: {  	s0 =	sadd.s32 $0x8F2B, s0  }
0xc3: {  	[sflag:s0] =	ssyncadd.remote.s32 $0x1  }
0xc4: {  	_ =	sfence.sel $0xFFFF  }
0xc5: {  	[dreg:$0x0] =	wrdreg $0xFFFFFFFF;
	(pc) =	sbr.abs _section_cstart, $3  }
0xc6: {  	[dreg:$0x1] =	wrdreg $0xFFFFFFFF  }
0xc7: {  	_ =	task.clear_ibuf [dreg:s10], $0x2FFFF;
	_ =	strace $0x9FFFFFFF  }
0xc8: {  	(tm) =	ssettm $0x7FFFFFFF  }
0xc9: {  	_ =	shalt  }
tec
execute0_lowered:
.L_overlay_start_1:
0x0: {  	(tag) =	ssettag $0x1  }
0x1: {  	v2 =	vlaneseq.u32  }
0x2: {  	v3 =	vimm.s32 $0x4000;
	v11 =	vimm.s32 $0x2380;
	vm0 =	vcmask $0x300  }
0x3: {  	vm1 =	vcmask $0x704;
	v12 =	vimm.s32 $0x6380;
	vm2 =	vcmask $0xB08  }
0x4: {  	vm4 =	vcmask $0xF0C;
	vm5 =	vcmask $0x1310;
	vm6 =	vcmask $0x1714  }
0x5: {  	vm7 =	vcmask $0x1B18;
	vm8 =	vcmask $0x1F1C;
	vm9 =	vcmask $0x2320  }
0x6: {  	s2 =	rddreg [dreg:$0x1];
	vm10 =	vcmask $0x2724;
	vm11 =	vcmask $0x2B28;
	vm12 =	vcmask $0x2F2C  }
0x7: {  	s3 =	rddreg [dreg:$0x2];
	vm13 =	vcmask $0x3330;
	v11 =	vsel vm0, $0x0, v11;
	v12 =	vsel vm0, $0x4000, v12  }
0x8: {  	s22 =	stileid.u32;
	s1 =	simm.s32 $0xF840;
	s8 =	rddreg [dreg:$0x3];
	vm14 =	vcmask $0x3734;
	v11 =	vsel vm1, $0x80, v11;
	v12 =	vsel vm1, $0x4080, v12  }
0x9: {  	s6 =	rddreg [dreg:$0x4];
	s5 =	srdreg.scid;
	s4 =	simm.s32 $0x0;
	vm15 =	vcmask $0x3B38;
	v11 =	vsel vm2, $0x100, v11;
	v12 =	vsel vm2, $0x4100, v12  }
0xa: {  	s12 =	simm.s32 $0x1D900;
	s14 =	simm.s32 $0x800;
	s15 =	simm.s32 $0x4880;
	v4 =	vor.u32 $0x10, v2;
	v11 =	vsel vm4, $0x180, v11;
	v12 =	vsel vm4, $0x4180, v12  }
0xb: {  	s13 =	simm.s32 $0x4;
	s16 =	simm.s32 $0x2000;
	s17 =	simm.s32 $0x7A1400;
	v5 =	vor.u32 $0x20, v2;
	v11 =	vsel vm5, $0x200, v11;
	v12 =	vsel vm5, $0x4200, v12  }
0xc: {  	s18 =	simm.s32 $0x8900;
	s19 =	simm.s32 $0x10900;
	s20 =	simm.s32 $0x1;
	v6 =	vor.u32 $0x30, v2;
	v11 =	vsel vm6, $0x280, v11;
	v12 =	vsel vm6, $0x4280, v12  }
0xd: {  	s21 =	simm.s32 $0x2;
	s26 =	simm.s32 $0x0;
	s0 =	smul.u32 $0xF400, s22;
	v7 =	vor.u32 $0x40, v2;
	v11 =	vsel vm7, $0x300, v11;
	v12 =	vsel vm7, $0x4300, v12  }
0xe: {  	p0 =	seq.s32 s22, $0xF;
	v8 =	vor.u32 $0x50, v2;
	s7 =	sand.u32 $0x1, s5;
	[smem:$0x7FF] =	sst s4;
	v11 =	vsel vm8, $0x380, v11;
	v12 =	vsel vm8, $0x4380, v12  }
0xf: {  	v9 =	vor.u32 $0x60, v2;
	s5 =	sadd.s32 $0x1C00, s6;
	s6 =	sadd.s32 $0x41E00, s6;
	s30 =	sadd.s32 $0xF4200, s8;
	v11 =	vsel vm9, $0x2000, v11;
	v12 =	vsel vm9, $0x6000, v12  }
0x10: {  	v10 =	vor.u32 $0x70, v2;
	s1 =	simm.s32 @!p0 $0xF800;
	s9 =	ssub.s32 $0x2, s7;
	s0 =	simm.s32 @p0 $0xE4A00;
	v11 =	vsel vm10, $0x2080, v11;
	v12 =	vsel vm10, $0x6080, v12  }
.Ltmp0:
0x11: {  	v1 =	vmov s1;
	s1 =	rddreg [dreg:$0x0];
	_ =	strace $0x80000047;
	v11 =	vsel vm11, $0x2100, v11;
	v12 =	vsel vm11, $0x6100, v12;
	(pc) =	sbr.rel .LBB2_1-.Ltmp0, $4  }
0x12: {  	s10 =	sshrl.u32 s9, $0x1;
	p0 =	seq.s32 s7, $0x1;
	[dreg:$0x7] =	wrdreg s30;
	v0 =	vmov s0;
	v13 =	vsel vm12, $0x2180, v11;
	v12 =	vsel vm12, $0x6180, v12  }
0x13: {  	s11 =	ssub.s32 s9, s10;
	s7 =	sadd.s32 s3, s0;
	s3 =	sadd.s32 $0xF4200, s3;
	v13 =	vsel vm13, $0x2200, v13;
	v14 =	vsel vm13, $0x6200, v12;
	v12 =	vmul.u32 $0x80, v2  }
0x14: {  	p1 =	sne.s32 s22, $0xF;
	[dreg:$0x6] =	wrdreg s3;
	s31 =	smax.u32 s11, $0x1;
	v11 =	vimm.s32 $0x0;
	v13 =	vsel vm14, $0x2280, v13;
	v14 =	vsel vm14, $0x6280, v14  }
0x15: {  	s22 =	simm.s32 $0x18900;
	s9 =	sadd.s32 s8, s0;
	[dreg:$0x8] =	wrdreg s31;
	v13 =	vsel vm15, $0x2300, v13;
	v14 =	vsel vm15, $0x6300, v14;
	v15 =	vor.u32 $0x800, v12  }
.LBB2_75:
0x16: {  	[sflag:s8] =	ssyncset.done @!p3 $0x0  }
0x17: {  	s0 =	smov.u32 s6;
	[sflag:s8] =	ssyncadd.s32 @!p3 $0xFFFFC000  }
.LBB2_76:
0x18: {  	s3 =	simm.s32 $0x80;
	s8 =	simm.s32 $0x19900;
	s30 =	simm.s32 $0x3  }
0x19: {  	[hbm4b:s0+s3] =	stream.indirect.scatter [tilespmem:s8], [sflag:$0x3], $0x80, s12, s3, $0xb8;
	[tilespmem:$0x1D980] =	vst v63  }
0x1a: {  	_ =	swait.ge [sflag:s30], $0x4000  }
0x1b: {  	s26 =	sadd.s32 $0x1, s26;
	s31 =	rddreg [dreg:$0x8]  }
0x1c: {  	p2 =	sne.s32 s26, s31  }
.Ltmp1:
0x1d: {  	_ = 	snop;
	(pc) =	sbr.rel @!p2 .LBB2_77-.Ltmp1, $3  }
0x1e: {  	_ =	sdelay $0x1  }
0x1f: {  	[sflag:s30] =	ssyncset.done $0x0  }
0x20: {  	[sflag:s30] =	ssyncadd.s32 $0xFFFFC000  }
.LBB2_1:
0x21: {  	_ =	sdelay $0x3  }
0x22: {  	[tilespmem:v2+s12+$0x0] =	vst.idx.msk $0xffff, v3  }
0x23: {  	[tilespmem:v4+s12+$0x0] =	vst.idx.msk $0xffff, v3  }
0x24: {  	[tilespmem:v5+s12+$0x0] =	vst.idx.msk $0xffff, v3  }
.Ltmp2:
0x25: {  	[tilespmem:v6+s12+$0x0] =	vst.idx.msk $0xffff, v3;
	(pc) =	sbr.rel @!p0 .LBB2_2-.Ltmp2, $4  }
0x26: {  	[tilespmem:v7+s12+$0x0] =	vst.idx.msk $0xffff, v3  }
0x27: {  	[tilespmem:v8+s12+$0x0] =	vst.idx.msk $0xffff, v3  }
0x28: {  	s0 =	simm.s32 $0x0;
	s23 =	simm.s32 $0x0;
	s3 =	simm.s32 $0x0;
	[tilespmem:v9+s12+$0x0] =	vst.idx.msk $0xffff, v3  }
0x29: {  	s28 =	simm.s32 $0x0;
	s24 =	simm.s32 $0x0;
	s29 =	simm.s32 $0x0;
	[tilespmem:v10+s12+$0x0] =	vst.idx.msk $0xffff, v3  }
.LBB2_39:
0x2a: {  	s0 =	sshll.u32 s29, $0x8  }
0x2b: {  	s3 =	simm.s32 $0x0;
	s0 =	sadd.s32 s2, s0  }
0x2c: {  	[tilespmem:s3], [sflag:$0x4] =	stream.linear.gather [hbm4b:s0+s3], $0x800, $0x38;
	[tilespmem:$0x1D980] =	vst v63  }
0x2d: {  	_ =	swait.ge [sflag:s13], $0x800  }
0x2e: {  	[sflag:s13] =	ssyncset.done $0x0  }
0x2f: {  	s23 =	simm.s32 $0x0;
	[sflag:s13] =	ssyncadd.s32 $0xFFFFF800  }
0x30: {  	v16 =	vld [tilespmem:s23+$0x0];
	_ =	sdelay $0x4  }
0x31: {  	v16 =	vsub.s32 v16, v0  }
0x32: {  	vm0 =	vgt.s32 v16, $0xFFFFFFFF;
	vm1 =	vlt.s32 v16, v1  }
0x33: {  	vm0 =	vmand vm0, vm1  }
0x34: {  	v17 =	vsel vm0, $0x1, v11  }
0x35: {  	(xrf0) =	vadd.scan.msk.s32 $0xffff, v17;
	_ =	sdelay $0x4  }
0x36: {  	v17 =	vsel vm0, $0xFFFFFFFF, v11  }
0x37: {  	v17 =	vadd.s32 s24, v17;
	v18, _, _ =	vpop (xrf0)  }
0x38: {  	(v2sf) =	vpush v18, $0xF;
	v17 =	vadd.s32 v18, v17;
	_ =	sdelay $0x1  }
0x39: {  	v16 =	vshll.u32 v16, $0xE  }
0x3a: {  	v16 =	vadd.s32 s28, v16  }
0x3b: {  	v16 =	vadd.s32 v2, v16  }
0x3c: {  	s25 =	simm.s32 $0x10;
	[tilespmem:v17+s14+$0x0] =	vst.idx.msk vm0, v16  }
0x3d: {  	v16 =	vld [tilespmem:s25+$0x0];
	_ =	sdelay $0x4  }
0x3e: {  	v16 =	vsub.s32 v16, v0  }
0x3f: {  	vm0 =	vgt.s32 v16, $0xFFFFFFFF;
	vm1 =	vlt.s32 v16, v1  }
0x40: {  	vm0 =	vmand vm0, vm1  }
0x41: {  	v17 =	vsel vm0, $0x1, v11  }
0x42: {  	s30 =	simm.s32 $0xC0;
	s31 =	spop (v2sf);
	(xrf0) =	vadd.scan.msk.s32 $0xffff, v17  }
0x43: {  	s3 =	simm.s32 $0x80;
	s23 =	smov.u32 s28;
	s0 =	sadd.s32 s24, s31  }
.LBB2_40:
0x44: {  	p2 =	sne.s32 s30, $0x1FC0;
	_ =	sdelay $0x2  }
0x45: {  	v17 =	vsel vm0, $0xFFFFFFFF, v11  }
0x46: {  	v17 =	vadd.s32 s0, v17;
	v18, _, _ =	vpop (xrf0)  }
0x47: {  	v17 =	vadd.s32 v18, v17;
	(v2sf) =	vpush v18, $0xF;
	_ =	sdelay $0x1  }
0x48: {  	v16 =	vshll.u32 v16, $0xE;
	s23 =	sadd.s32 $0x10, s23  }
0x49: {  	v16 =	vadd.s32 s23, v16  }
0x4a: {  	v16 =	vadd.s32 v2, v16  }
0x4b: {  	s8 =	sshra.s32 s3, $0x2;
	s3 =	smov.u32 s30;
	[tilespmem:v17+s14+$0x0] =	vst.idx.msk vm0, v16  }
0x4c: {  	v16 =	vld [tilespmem:s8+$0x0];
	_ =	sdelay $0x4  }
0x4d: {  	v16 =	vsub.s32 v16, v0  }
.Ltmp3:
0x4e: {  	vm0 =	vgt.s32 v16, $0xFFFFFFFF;
	vm1 =	vlt.s32 v16, v1;
	(pc) =	sbr.rel @p2 .LBB2_40-.Ltmp3, $4  }
0x4f: {  	vm0 =	vmand vm0, vm1  }
0x50: {  	v17 =	vsel vm0, $0x1, v11  }
0x51: {  	(xrf0) =	vadd.scan.msk.s32 $0xffff, v17;
	s8 =	spop (v2sf)  }
0x52: {  	s30 =	sadd.s32 $0x40, s30;
	s0 =	sadd.s32 s0, s8  }
0x53: {  	_ =	sdelay $0x2  }
0x54: {  	v17 =	vsel vm0, $0xFFFFFFFF, v11  }
0x55: {  	v17 =	vadd.s32 s0, v17;
	v18, _, _ =	vpop (xrf0)  }
0x56: {  	v17 =	vadd.s32 v18, v17;
	_ =	sdelay $0x1  }
0x57: {  	v16 =	vshll.u32 v16, $0xE;
	s8 =	sadd.s32 $0x10, s23  }
0x58: {  	v16 =	vadd.s32 s8, v16  }
0x59: {  	v16 =	vadd.s32 v2, v16  }
0x5a: {  	s3 =	sshra.s32 s3, $0x2;
	[tilespmem:v17+s14+$0x0] =	vst.idx.msk vm0, v16  }
0x5b: {  	v16 =	vld [tilespmem:s3+$0x0];
	_ =	sdelay $0x4  }
0x5c: {  	v16 =	vsub.s32 v16, v0  }
0x5d: {  	vm15 =	vgt.s32 v16, $0xFFFFFFFF;
	vm1 =	vlt.s32 v16, v1  }
0x5e: {  	vm0 =	vmand vm15, vm1  }
0x5f: {  	v17 =	vsel vm0, $0x1, v11  }
0x60: {  	(v2sf) =	vpush v18, $0xF;
	(xrf0) =	vadd.scan.msk.s32 $0xffff, v17;
	_ =	sdelay $0x5  }
0x61: {  	v17, _, _ =	vpop (xrf0)  }
0x62: {  	(v2sf) =	vpush v17, $0xF;
	_ =	sdelay $0x7  }
0x63: {  	s30 =	spop (v2sf)  }
0x64: {  	v63 =	vsel vm0, $0xFFFFFFFF, v11;
	s3 =	sadd.s32 s0, s30  }
0x65: {  	s29 =	sadd.s32 $0x1, s29;
	v18 =	vadd.s32 s3, v63  }
0x66: {  	p2 =	seq.s32 s29, $0x8;
	v17 =	vadd.s32 v17, v18  }
.Ltmp4:
0x67: {  	_ = 	snop;
	(pc) =	sbr.rel @!p2 .LBB2_39-.Ltmp4, $4  }
0x68: {  	s31 =	sadd.s32 $0x10, s8;
	v16 =	vshll.u32 v16, $0xE  }
0x69: {  	v16 =	vadd.s32 s31, v16  }
0x6a: {  	v16 =	vadd.s32 v2, v16;
	s0 =	spop (v2sf)  }
0x6b: {  	s28 =	sadd.s32 $0x800, s28;
	[tilespmem:v17+s14+$0x0] =	vst.idx.msk vm0, v16;
	s24 =	sadd.s32 s3, s0  }
0x6c: {  	s3 =	simm.s32 $0x4;
	s8 =	simm.s32 $0x0  }
.LBB2_43:
0x6d: {  	p2 =	seq.s32 s3, $0xFC  }
0x6e: {  	[smem:s8] =	sst s4;
	s8 =	smov.u32 s3;
	s3 =	sadd.s32 $0x4, s3  }
.Ltmp5:
0x6f: {  	(pc) =	sbr.rel @!p2 .LBB2_43-.Ltmp5, $2  }
0x70: {  	_ =	sdelay $0x2  }
0x71: {  	s8 =	sshra.s32 s8, $0x2  }
0x72: {  	p2 =	slt.s32 s24, $0x1  }
.Ltmp6:
0x73: {  	_ = 	snop;
	(pc) =	sbr.rel @p2 .LBB2_56-.Ltmp6, $2  }
0x74: {  	_ =	sdelay $0x2  }
0x75: {  	[smem:s8] =	sst s4;
	s28 =	sadd.s32 s24, s0  }
0x76: {  	s0 =	simm.s32 $0x800  }
0x77: {  	p6 =	seq.s32 s28, $0x1;
	v16 =	vld [tilespmem:s0+$0x0]  }
.Ltmp7:
0x78: {  	_ = 	snop;
	(pc) =	sbr.rel @p6 .LBB2_46-.Ltmp7, $3  }
0x79: {  	_ =	sdelay $0x1  }
0x7a: {  	s3 =	simm.s32 $0x801;
	p3 =	por $0x0, $0x0  }
0x7b: {  	p4 =	por $0x0, $0x0;
	p5 =	por $0x0, $0x0;
	s0 =	sadd.s32 $0xFFFFFFFF, s28;
	(v2sf) =	vpush v16, $0x0  }
0x7c: {  	v16 =	vld [tilespmem:s3+$0x0];
	_ =	sdelay $0x4  }
0x7d: {  	(v2sf) =	vpush v16, $0x0;
	_ =	sdelay $0x6  }
0x7e: {  	p6 =	seq.s32 s0, $0x1  }
.Ltmp8:
0x7f: {  	_ = 	snop;
	(pc) =	sbr.rel @p6 .LBB2_48-.Ltmp8, $2  }
0x80: {  	_ =	sdelay $0x2  }
0x81: {  	s0 =	sadd.s32 $0xFFFFFFFF, s0;
	s3 =	simm.s32 $0x802;
	p3 =	por $0x1, $0x1  }
0x82: {  	v16 =	vld [tilespmem:s3+$0x0];
	_ =	sdelay $0x4  }
0x83: {  	(v2sf) =	vpush v16, $0x0;
	_ =	sdelay $0x3  }
0x84: {  	p6 =	seq.s32 s0, $0x1  }
.Ltmp9:
0x85: {  	_ = 	snop;
	(pc) =	sbr.rel @p6 .LBB2_50-.Ltmp9, $2  }
0x86: {  	_ =	sdelay $0x2  }
0x87: {  	s0 =	sadd.s32 $0xFFFFFFFF, s0;
	s3 =	simm.s32 $0x803;
	p4 =	por $0x1, $0x1  }
0x88: {  	v16 =	vld [tilespmem:s3+$0x0];
	_ =	sdelay $0x4  }
0x89: {  	(v2sf) =	vpush v16, $0x0;
	_ =	sdelay $0x3  }
0x8a: {  	p6 =	seq.s32 s0, $0x1  }
.Ltmp10:
0x8b: {  	_ = 	snop;
	(pc) =	sbr.rel @p6 .LBB2_52-.Ltmp10, $4  }
0x8c: {  	s31 =	spop (v2sf)  }
0x8d: {  	s3 =	sshra.s32 s31, $0x18  }
0x8e: {  	s23 =	sadd.s32 $0xFFFFFFFF, s0;
	s0 =	sld [smem:s3+$0x0]  }
0x8f: {  	s24 =	simm.s32 $0x804;
	p5 =	por $0x1, $0x1  }
.LBB2_53:
0x90: {  	v16 =	vld [tilespmem:s24+$0x0];
	p6 =	seq.s32 s23, $0x1;
	s23 =	sadd.s32 $0xFFFFFFFF, s23  }
.Ltmp11:
0x91: {  	s0 =	sadd.s32 $0x1, s0;
	(pc) =	sbr.rel @!p6 .LBB2_53-.Ltmp11, $4  }
0x92: {  	s8 =	spop (v2sf);
	[smem:s3] =	sst s0  }
0x93: {  	s3 =	sshra.s32 s8, $0x18  }
0x94: {  	s0 =	sld [smem:s3+$0x0]  }
0x95: {  	s24 =	sadd.s32 $0x1, s24;
	(v2sf) =	vpush v16, $0x0  }
0x96: {  	_ = 	snop  }
.LBB2_55:
0x97: {  	_ = 	snop  }
0x98: {  	s0 =	sadd.s32 @p5 $0x1, s0;
	s8 =	spop @p4 (v2sf)  }
0x99: {  	[smem:s3] =	sst @p5 s0;
	s0 =	sshra.s32 @p4 s8, $0x18  }
0x9a: {  	s3 =	sld @p4 [smem:s0+$0x0];
	_ =	sdelay $0x2  }
0x9b: {  	s3 =	smov.u32 @p4 s3  }
0x9c: {  	s8 =	spop @p3 (v2sf);
	s0 =	smov.u32 @p4 s0;
	s3 =	sadd.s32 @p4 $0x1, s3  }
0x9d: {  	[smem:s0] =	sst @p4 s3;
	s0 =	sshra.s32 @p3 s8, $0x18  }
0x9e: {  	s3 =	sld @p3 [smem:s0+$0x0];
	_ =	sdelay $0x2  }
0x9f: {  	s3 =	smov.u32 @p3 s3  }
0xa0: {  	s0 =	smov.u32 @p3 s0;
	s3 =	sadd.s32 @p3 $0x1, s3;
	s30 =	spop (v2sf)  }
0xa1: {  	[smem:s0] =	sst @p3 s3;
	s31 =	sshra.s32 s30, $0x18  }
0xa2: {  	s3 =	sld [smem:s31+$0x0];
	_ =	sdelay $0x2  }
0xa3: {  	s3 =	sadd.s32 $0x1, s3  }
0xa4: {  	[smem:s31] =	sst s3  }
.LBB2_56:
0xa5: {  	s0 =	simm.s32 $0x0;
	s3 =	simm.s32 $0x0;
	s8 =	sld [smem:$0x0]  }
0xa6: {  	[smem:s3] =	sst s0  }
0xa7: {  	s3 =	simm.s32 $0x4;
	[smem:$0x80] =	sst s0  }
.LBB2_57:
0xa8: {  	p3 =	seq.s32 s3, $0xFC  }
0xa9: {  	s0 =	sadd.s32 s0, s8;
	s8 =	smov.u32 s3;
	s3 =	sadd.s32 $0x4, s3  }
.Ltmp12:
0xaa: {  	(pc) =	sbr.rel @!p3 .LBB2_57-.Ltmp12, $4  }
0xab: {  	s10 =	sshra.s32 s8, $0x2  }
0xac: {  	s8 =	sld [smem:s10+$0x0]  }
0xad: {  	[smem:s10] =	sst s0  }
0xae: {  	[smem:s10+$0x80] =	sst s0  }
.Ltmp13:
0xaf: {  	(pc) =	sbr.rel @p2 .LBB2_62-.Ltmp13, $1  }
0xb0: {  	_ =	sdelay $0x3  }
0xb1: {  	p2 =	sne.s32 s28, $0x1  }
.Ltmp14:
0xb2: {  	_ = 	snop;
	(pc) =	sbr.rel @!p2 .LBB2_61-.Ltmp14, $3  }
0xb3: {  	_ =	sdelay $0x1  }
0xb4: {  	s0 =	simm.s32 $0x800  }
0xb5: {  	s3 =	sadd.s32 $0xFFFFFFFF, s28;
	v16 =	vld [tilespmem:s0+$0x0]  }
.LBB2_60:
0xb6: {  	p2 =	sne.s32 s3, $0x1;
	_ =	sdelay $0x3  }
0xb7: {  	(v2sf) =	vpush v16, $0x0;
	_ =	sdelay $0xe  }
0xb8: {  	s8 =	spop (v2sf)  }
0xb9: {  	s8 =	sshra.s32 s8, $0x18  }
0xba: {  	s10 =	sld [smem:s8+$0x80];
	_ =	sdelay $0x2  }
0xbb: {  	s11 =	sadd.s32 $0x1, s10;
	v17 =	vmov s10  }
0xbc: {  	[smem:s8+$0x80] =	sst s11  }
.Ltmp15:
0xbd: {  	(pc) =	sbr.rel @p2 .LBB2_60-.Ltmp15, $3  }
0xbe: {  	v16 =	vbroadcast v16, $0x0;
	_ =	sdelay $0x1  }
0xbf: {  	s0 =	sadd.s32 $0x1, s0;
	[tilespmem:v17+s15+$0x0] =	vst.idx.msk $0x1, v16  }
0xc0: {  	s3 =	sadd.s32 $0xFFFFFFFF, s3;
	v16 =	vld [tilespmem:s0+$0x0]  }
.LBB2_61:
0xc1: {  	_ =	sdelay $0x3  }
0xc2: {  	(v2sf) =	vpush v16, $0x0;
	_ =	sdelay $0xe  }
0xc3: {  	s0 =	spop (v2sf)  }
0xc4: {  	s0 =	sshra.s32 s0, $0x18  }
0xc5: {  	s3 =	sld [smem:s0+$0x80];
	_ =	sdelay $0x2  }
0xc6: {  	v17 =	vmov s3;
	_ =	sdelay $0x2  }
0xc7: {  	v16 =	vbroadcast v16, $0x0  }
0xc8: {  	s3 =	sadd.s32 $0x1, s3  }
0xc9: {  	[smem:s0+$0x80] =	sst s3;
	[tilespmem:v17+s15+$0x0] =	vst.idx.msk $0x1, v16  }
.LBB2_62:
.Ltmp16:
0xca: {  	(pc) =	sbr.rel .LBB2_63-.Ltmp16, $3  }
0xcb: {  	_ =	sdelay $0x1  }
0xcc: {  	[tilespmem:s18], [sflag:$0x1] =	stream.strided.gather [hbm4b:s9+s16], $0x8000, s17, s16, $0x38;
	[tilespmem:$0x1D980] =	vst v63  }
0xcd: {  	s28 =	simm.s32 $0x0;
	s29 =	simm.s32 $0x0  }
.LBB2_2:
0xce: {  	s8 =	sshll.u32 s3, $0x8  }
0xcf: {  	s24 =	simm.s32 $0x0;
	s8 =	sadd.s32 s1, s8  }
0xd0: {  	[tilespmem:s24], [sflag:$0x4] =	stream.linear.gather [hbm4b:s8+s24], $0x800, $0x38;
	[tilespmem:$0x1D980] =	vst v63  }
0xd1: {  	_ =	swait.ge [sflag:s13], $0x800  }
0xd2: {  	[sflag:s13] =	ssyncset.done $0x0  }
0xd3: {  	s25 =	simm.s32 $0x0;
	[sflag:s13] =	ssyncadd.s32 $0xFFFFF800  }
0xd4: {  	v16 =	vld [tilespmem:s25+$0x0];
	_ =	sdelay $0x4  }
0xd5: {  	v16 =	vsub.s32 v16, v0  }
0xd6: {  	vm0 =	vgt.s32 v16, $0xFFFFFFFF;
	vm1 =	vlt.s32 v16, v1  }
0xd7: {  	vm0 =	vmand vm0, vm1  }
0xd8: {  	v17 =	vsel vm0, $0x1, v11  }
0xd9: {  	(xrf0) =	vadd.scan.msk.s32 $0xffff, v17;
	_ =	sdelay $0x4  }
0xda: {  	v17 =	vsel vm0, $0xFFFFFFFF, v11  }
0xdb: {  	v17 =	vadd.s32 s23, v17;
	v18, _, _ =	vpop (xrf0)  }
0xdc: {  	(v2sf) =	vpush v18, $0xF;
	v17 =	vadd.s32 v18, v17;
	_ =	sdelay $0x1  }
0xdd: {  	v16 =	vshll.u32 v16, $0xE  }
0xde: {  	v16 =	vadd.s32 s0, v16  }
0xdf: {  	v16 =	vadd.s32 v2, v16  }
0xe0: {  	s30 =	simm.s32 $0x10;
	[tilespmem:v17+s14+$0x0] =	vst.idx.msk vm0, v16  }
0xe1: {  	v16 =	vld [tilespmem:s30+$0x0];
	_ =	sdelay $0x4  }
0xe2: {  	v16 =	vsub.s32 v16, v0  }
0xe3: {  	vm0 =	vgt.s32 v16, $0xFFFFFFFF;
	vm1 =	vlt.s32 v16, v1  }
0xe4: {  	vm0 =	vmand vm0, vm1  }
0xe5: {  	v17 =	vsel vm0, $0x1, v11  }
0xe6: {  	s29 =	simm.s32 $0xC0;
	s31 =	spop (v2sf);
	(xrf0) =	vadd.scan.msk.s32 $0xffff, v17  }
0xe7: {  	s28 =	smov.u32 s0;
	s24 =	simm.s32 $0x80;
	s23 =	sadd.s32 s23, s31  }
.LBB2_3:
0xe8: {  	p2 =	sne.s32 s29, $0x1FC0;
	_ =	sdelay $0x2  }
0xe9: {  	v17 =	vsel vm0, $0xFFFFFFFF, v11  }
0xea: {  	v17 =	vadd.s32 s23, v17;
	v18, _, _ =	vpop (xrf0)  }
0xeb: {  	v17 =	vadd.s32 v18, v17;
	(v2sf) =	vpush v18, $0xF;
	_ =	sdelay $0x1  }
0xec: {  	v16 =	vshll.u32 v16, $0xE;
	s28 =	sadd.s32 $0x10, s28  }
0xed: {  	v16 =	vadd.s32 s28, v16  }
0xee: {  	v16 =	vadd.s32 v2, v16  }
0xef: {  	s8 =	sshra.s32 s24, $0x2;
	s24 =	smov.u32 s29;
	[tilespmem:v17+s14+$0x0] =	vst.idx.msk vm0, v16  }
0xf0: {  	v16 =	vld [tilespmem:s8+$0x0];
	_ =	sdelay $0x4  }
0xf1: {  	v16 =	vsub.s32 v16, v0  }
.Ltmp17:
0xf2: {  	vm0 =	vgt.s32 v16, $0xFFFFFFFF;
	vm1 =	vlt.s32 v16, v1;
	(pc) =	sbr.rel @p2 .LBB2_3-.Ltmp17, $4  }
0xf3: {  	vm0 =	vmand vm0, vm1  }
0xf4: {  	v17 =	vsel vm0, $0x1, v11  }
0xf5: {  	(xrf0) =	vadd.scan.msk.s32 $0xffff, v17;
	s8 =	spop (v2sf)  }
0xf6: {  	s29 =	sadd.s32 $0x40, s29;
	s23 =	sadd.s32 s23, s8  }
0xf7: {  	_ =	sdelay $0x2  }
0xf8: {  	v17 =	vsel vm0, $0xFFFFFFFF, v11  }
0xf9: {  	v17 =	vadd.s32 s23, v17;
	v18, _, _ =	vpop (xrf0)  }
0xfa: {  	v17 =	vadd.s32 v18, v17;
	_ =	sdelay $0x1  }
0xfb: {  	v16 =	vshll.u32 v16, $0xE;
	s8 =	sadd.s32 $0x10, s28  }
0xfc: {  	v16 =	vadd.s32 s8, v16  }
0xfd: {  	v16 =	vadd.s32 v2, v16  }
0xfe: {  	s24 =	sshra.s32 s24, $0x2;
	[tilespmem:v17+s14+$0x0] =	vst.idx.msk vm0, v16  }
0xff: {  	v16 =	vld [tilespmem:s24+$0x0];
	_ =	sdelay $0x4  }
0x100: {  	v16 =	vsub.s32 v16, v0  }
0x101: {  	vm15 =	vgt.s32 v16, $0xFFFFFFFF;
	vm1 =	vlt.s32 v16, v1  }
0x102: {  	vm0 =	vmand vm15, vm1  }
0x103: {  	v17 =	vsel vm0, $0x1, v11  }
0x104: {  	(v2sf) =	vpush v18, $0xF;
	(xrf0) =	vadd.scan.msk.s32 $0xffff, v17;
	_ =	sdelay $0x5  }
0x105: {  	v17, _, _ =	vpop (xrf0)  }
0x106: {  	(v2sf) =	vpush v17, $0xF;
	_ =	sdelay $0x7  }
0x107: {  	s30 =	spop (v2sf)  }
0x108: {  	v63 =	vsel vm0, $0xFFFFFFFF, v11;
	s31 =	sadd.s32 s23, s30  }
0x109: {  	s3 =	sadd.s32 $0x1, s3;
	v18 =	vadd.s32 s31, v63  }
0x10a: {  	p2 =	seq.s32 s3, $0x8;
	v17 =	vadd.s32 v17, v18  }
.Ltmp18:
0x10b: {  	_ = 	snop;
	(pc) =	sbr.rel @!p2 .LBB2_2-.Ltmp18, $4  }
0x10c: {  	s8 =	sadd.s32 $0x10, s8;
	v16 =	vshll.u32 v16, $0xE  }
0x10d: {  	v16 =	vadd.s32 s8, v16  }
0x10e: {  	v16 =	vadd.s32 v2, v16;
	s24 =	spop (v2sf)  }
0x10f: {  	s0 =	sadd.s32 $0x800, s0;
	[tilespmem:v17+s14+$0x0] =	vst.idx.msk vm0, v16;
	s23 =	sadd.s32 s31, s24  }
0x110: {  	s0 =	simm.s32 $0x4;
	s3 =	simm.s32 $0x0  }
.LBB2_6:
0x111: {  	p2 =	seq.s32 s0, $0xFC  }
0x112: {  	[smem:s3] =	sst s4;
	s3 =	smov.u32 s0;
	s0 =	sadd.s32 $0x4, s0  }
.Ltmp19:
0x113: {  	(pc) =	sbr.rel @!p2 .LBB2_6-.Ltmp19, $2  }
0x114: {  	_ =	sdelay $0x2  }
0x115: {  	s3 =	sshra.s32 s3, $0x2  }
0x116: {  	p2 =	slt.s32 s23, $0x1  }
.Ltmp20:
0x117: {  	_ = 	snop;
	(pc) =	sbr.rel @p2 .LBB2_19-.Ltmp20, $2  }
0x118: {  	_ =	sdelay $0x2  }
0x119: {  	[smem:s3] =	sst s4;
	s28 =	sadd.s32 s23, s24  }
0x11a: {  	s0 =	simm.s32 $0x800  }
0x11b: {  	p6 =	seq.s32 s28, $0x1;
	v16 =	vld [tilespmem:s0+$0x0]  }
.Ltmp21:
0x11c: {  	_ = 	snop;
	(pc) =	sbr.rel @p6 .LBB2_9-.Ltmp21, $3  }
0x11d: {  	_ =	sdelay $0x1  }
0x11e: {  	s3 =	simm.s32 $0x801;
	p3 =	por $0x0, $0x0  }
0x11f: {  	p4 =	por $0x0, $0x0;
	p5 =	por $0x0, $0x0;
	s0 =	sadd.s32 $0xFFFFFFFF, s28;
	(v2sf) =	vpush v16, $0x0  }
0x120: {  	v16 =	vld [tilespmem:s3+$0x0];
	_ =	sdelay $0x4  }
0x121: {  	(v2sf) =	vpush v16, $0x0;
	_ =	sdelay $0x6  }
0x122: {  	p6 =	seq.s32 s0, $0x1  }
.Ltmp22:
0x123: {  	_ = 	snop;
	(pc) =	sbr.rel @p6 .LBB2_11-.Ltmp22, $2  }
0x124: {  	_ =	sdelay $0x2  }
0x125: {  	s0 =	sadd.s32 $0xFFFFFFFF, s0;
	s3 =	simm.s32 $0x802;
	p3 =	por $0x1, $0x1  }
0x126: {  	v16 =	vld [tilespmem:s3+$0x0];
	_ =	sdelay $0x4  }
0x127: {  	(v2sf) =	vpush v16, $0x0;
	_ =	sdelay $0x3  }
0x128: {  	p6 =	seq.s32 s0, $0x1  }
.Ltmp23:
0x129: {  	_ = 	snop;
	(pc) =	sbr.rel @p6 .LBB2_13-.Ltmp23, $2  }
0x12a: {  	_ =	sdelay $0x2  }
0x12b: {  	s0 =	sadd.s32 $0xFFFFFFFF, s0;
	s3 =	simm.s32 $0x803;
	p4 =	por $0x1, $0x1  }
0x12c: {  	v16 =	vld [tilespmem:s3+$0x0];
	_ =	sdelay $0x4  }
0x12d: {  	(v2sf) =	vpush v16, $0x0;
	_ =	sdelay $0x3  }
0x12e: {  	p6 =	seq.s32 s0, $0x1  }
.Ltmp24:
0x12f: {  	_ = 	snop;
	(pc) =	sbr.rel @p6 .LBB2_15-.Ltmp24, $4  }
0x130: {  	s31 =	spop (v2sf)  }
0x131: {  	s3 =	sshra.s32 s31, $0x18  }
0x132: {  	s23 =	sadd.s32 $0xFFFFFFFF, s0;
	s0 =	sld [smem:s3+$0x0]  }
0x133: {  	s24 =	simm.s32 $0x804;
	p5 =	por $0x1, $0x1  }
.LBB2_16:
0x134: {  	v16 =	vld [tilespmem:s24+$0x0];
	p6 =	seq.s32 s23, $0x1;
	s23 =	sadd.s32 $0xFFFFFFFF, s23  }
.Ltmp25:
0x135: {  	s0 =	sadd.s32 $0x1, s0;
	(pc) =	sbr.rel @!p6 .LBB2_16-.Ltmp25, $4  }
0x136: {  	s8 =	spop (v2sf);
	[smem:s3] =	sst s0  }
0x137: {  	s3 =	sshra.s32 s8, $0x18  }
0x138: {  	s0 =	sld [smem:s3+$0x0]  }
0x139: {  	s24 =	sadd.s32 $0x1, s24;
	(v2sf) =	vpush v16, $0x0  }
0x13a: {  	_ = 	snop  }
.LBB2_18:
0x13b: {  	_ = 	snop  }
0x13c: {  	s0 =	sadd.s32 @p5 $0x1, s0;
	s8 =	spop @p4 (v2sf)  }
0x13d: {  	[smem:s3] =	sst @p5 s0;
	s0 =	sshra.s32 @p4 s8, $0x18  }
0x13e: {  	s3 =	sld @p4 [smem:s0+$0x0];
	_ =	sdelay $0x2  }
0x13f: {  	s3 =	smov.u32 @p4 s3  }
0x140: {  	s8 =	spop @p3 (v2sf);
	s0 =	smov.u32 @p4 s0;
	s3 =	sadd.s32 @p4 $0x1, s3  }
0x141: {  	[smem:s0] =	sst @p4 s3;
	s0 =	sshra.s32 @p3 s8, $0x18  }
0x142: {  	s3 =	sld @p3 [smem:s0+$0x0];
	_ =	sdelay $0x2  }
0x143: {  	s3 =	smov.u32 @p3 s3  }
0x144: {  	s0 =	smov.u32 @p3 s0;
	s3 =	sadd.s32 @p3 $0x1, s3;
	s30 =	spop (v2sf)  }
0x145: {  	[smem:s0] =	sst @p3 s3;
	s31 =	sshra.s32 s30, $0x18  }
0x146: {  	s3 =	sld [smem:s31+$0x0];
	_ =	sdelay $0x2  }
0x147: {  	s3 =	sadd.s32 $0x1, s3  }
0x148: {  	[smem:s31] =	sst s3  }
.LBB2_19:
0x149: {  	s0 =	simm.s32 $0x0;
	s3 =	simm.s32 $0x0;
	s8 =	sld [smem:$0x0]  }
0x14a: {  	[smem:s3] =	sst s0  }
0x14b: {  	s3 =	simm.s32 $0x4;
	[smem:$0x80] =	sst s0  }
.LBB2_20:
0x14c: {  	p3 =	seq.s32 s3, $0xFC  }
0x14d: {  	s0 =	sadd.s32 s0, s8;
	s8 =	smov.u32 s3;
	s3 =	sadd.s32 $0x4, s3  }
.Ltmp26:
0x14e: {  	(pc) =	sbr.rel @!p3 .LBB2_20-.Ltmp26, $4  }
0x14f: {  	s23 =	sshra.s32 s8, $0x2  }
0x150: {  	s8 =	sld [smem:s23+$0x0]  }
0x151: {  	[smem:s23] =	sst s0  }
0x152: {  	[smem:s23+$0x80] =	sst s0  }
.Ltmp27:
0x153: {  	(pc) =	sbr.rel @p2 .LBB2_25-.Ltmp27, $1  }
0x154: {  	_ =	sdelay $0x3  }
0x155: {  	p2 =	sne.s32 s28, $0x1  }
.Ltmp28:
0x156: {  	_ = 	snop;
	(pc) =	sbr.rel @!p2 .LBB2_24-.Ltmp28, $3  }
0x157: {  	_ =	sdelay $0x1  }
0x158: {  	s0 =	simm.s32 $0x800  }
0x159: {  	s3 =	sadd.s32 $0xFFFFFFFF, s28;
	v16 =	vld [tilespmem:s0+$0x0]  }
.LBB2_23:
0x15a: {  	p2 =	sne.s32 s3, $0x1;
	_ =	sdelay $0x3  }
0x15b: {  	(v2sf) =	vpush v16, $0x0;
	_ =	sdelay $0xe  }
0x15c: {  	s8 =	spop (v2sf)  }
0x15d: {  	s8 =	sshra.s32 s8, $0x18  }
0x15e: {  	s23 =	sld [smem:s8+$0x80];
	_ =	sdelay $0x2  }
0x15f: {  	s24 =	sadd.s32 $0x1, s23;
	v17 =	vmov s23  }
0x160: {  	[smem:s8+$0x80] =	sst s24  }
.Ltmp29:
0x161: {  	(pc) =	sbr.rel @p2 .LBB2_23-.Ltmp29, $3  }
0x162: {  	v16 =	vbroadcast v16, $0x0;
	_ =	sdelay $0x1  }
0x163: {  	s0 =	sadd.s32 $0x1, s0;
	[tilespmem:v17+s15+$0x0] =	vst.idx.msk $0x1, v16  }
0x164: {  	s3 =	sadd.s32 $0xFFFFFFFF, s3;
	v16 =	vld [tilespmem:s0+$0x0]  }
.LBB2_24:
0x165: {  	_ =	sdelay $0x3  }
0x166: {  	(v2sf) =	vpush v16, $0x0;
	_ =	sdelay $0xe  }
0x167: {  	s0 =	spop (v2sf)  }
0x168: {  	s0 =	sshra.s32 s0, $0x18  }
0x169: {  	s3 =	sld [smem:s0+$0x80];
	_ =	sdelay $0x2  }
0x16a: {  	v17 =	vmov s3;
	_ =	sdelay $0x2  }
0x16b: {  	v16 =	vbroadcast v16, $0x0  }
0x16c: {  	s3 =	sadd.s32 $0x1, s3  }
0x16d: {  	[smem:s0+$0x80] =	sst s3;
	[tilespmem:v17+s15+$0x0] =	vst.idx.msk $0x1, v16  }
.LBB2_25:
.Ltmp30:
0x16e: {  	(pc) =	sbr.rel .LBB2_26-.Ltmp30, $3  }
0x16f: {  	_ =	sdelay $0x1  }
0x170: {  	[tilespmem:s18], [sflag:$0x1] =	stream.strided.gather [hbm4b:s7+s16], $0x8000, s17, s16, $0x38;
	[tilespmem:$0x1D980] =	vst v63  }
0x171: {  	s28 =	simm.s32 $0x0;
	s29 =	simm.s32 $0x0  }
.LBB2_70:
0x172: {  	[sflag:s8] =	ssyncset.done @!p3 $0x0  }
0x173: {  	[sflag:s8] =	ssyncadd.s32 @!p3 $0xFFFFC000  }
.LBB2_71:
0x174: {  	s29 =	sadd.s32 $0x1, s29  }
0x175: {  	p2 =	sne.s32 s29, $0x1F  }
.Ltmp31:
0x176: {  	_ = 	snop;
	(pc) =	sbr.rel @!p2 .LBB2_72-.Ltmp31, $1  }
0x177: {  	_ =	sdelay $0x3  }
.LBB2_63:
0x178: {  	s0 =	sshll.u32 s29, $0xB  }
0x179: {  	s30 =	sor.u32 $0x400, s0  }
0x17a: {  	s3 =	sadd.s32 s30, s9  }
0x17b: {  	[tilespmem:s19], [sflag:$0x2] =	stream.strided.gather [hbm4b:s3+s16], $0x8000, s17, s16, $0x38;
	[tilespmem:$0x1D980] =	vst v63  }
0x17c: {  	_ =	swait.ge [sflag:s20], $0x8000  }
0x17d: {  	[sflag:s20] =	ssyncset.done $0x0  }
0x17e: {  	s3 =	sshll.u32 s29, $0x1;
	[sflag:s20] =	ssyncadd.s32 $0xFFFF8000  }
0x17f: {  	s8 =	sshllo.u32 s29, $0x1;
	s24 =	sld [smem:s3+$0x0]  }
0x180: {  	s31 =	sld [smem:s8+$0x0];
	_ =	sdelay $0x2  }
0x181: {  	p2 =	sle.s32 s31, s24  }
.Ltmp32:
0x182: {  	_ = 	snop;
	(pc) =	sbr.rel @p2 .LBB2_67-.Ltmp32, $1  }
0x183: {  	_ =	sdelay $0x3  }
0x184: {  	s8 =	sshll.u32 s24, $0x2  }
0x185: {  	s8 =	sshra.s32 s8, $0x2  }
0x186: {  	s23 =	sadd.s32 $0x4880, s8  }
0x187: {  	v16 =	vld [tilespmem:s23+$0x0];
	_ =	sdelay $0x4  }
0x188: {  	(v2sf) =	vpush v16, $0x0;
	_ =	sdelay $0xe  }
0x189: {  	s8 =	spop (v2sf)  }
0x18a: {  	s10 =	sshra.s32 s8, $0xE  }
0x18b: {  	s10 =	ssub.s32 s10, s0  }
0x18c: {  	v16 =	vmov s10  }
0x18d: {  	v17 =	vshll.u32 v16, $0x3  }
0x18e: {  	v16 =	vand.u32 $0x7F, v16;
	v17 =	vand.u32 $0xFFFFFC00, v17  }
0x18f: {  	v16 =	vor.u32 v16, v17  }
0x190: {  	v17 =	vadd.s32 v13, v16  }
0x191: {  	v16 =	vadd.s32 v14, v16;
	_ =	sdelay $0x3  }
0x192: {  	v17 =	vld.idx.msk [tilespmem:v17+s18+$0x0], $0xffff  }
0x193: {  	v16 =	vld.idx.msk [tilespmem:v16+s18+$0x0], $0xffff  }
0x194: {  	v18 =	vmov s28  }
0x195: {  	s25 =	sshll.u32 s28, $0x9;
	s11 =	ssub.s32 s31, s24  }
0x196: {  	s24 =	sadd.s32 $0xFFFFFFFF, s11;
	s10 =	sshra.s32 s25, $0x2  }
0x197: {  	s28 =	sadd.s32 $0x1, s28;
	p2 =	sne.s32 s24, $0x0;
	s8 =	sand.u32 $0x3FFF, s8;
	[tilespmem:s10+$0x19900] =	vst v17  }
.Ltmp33:
0x198: {  	p3 =	sne.s32 s28, $0x70;
	v17 =	vmov s8;
	[tilespmem:s10+$0x19910] =	vst v16;
	(pc) =	sbr.rel @!p2 .LBB2_66-.Ltmp33, $4  }
0x199: {  	s11 =	simm.s32 @!p3 $0x19900;
	s8 =	simm.s32 @!p3 $0x80;
	s10 =	simm.s32 @!p3 $0x1D900;
	[tilespmem:v18+s12+$0x0] =	vst.idx.msk $0x1, v17  }
0x19a: {  	[hbm4b:s6+s8] =	stream.indirect.scatter @!p3 [tilespmem:s11], [sflag:$0x3], $0x80, s10, s8, $0xb8;
	[tilespmem:$0x1D980] =	vst v63  }
0x19b: {  	s8 =	simm.s32 @!p3 $0x3  }
0x19c: {  	s28 =	simm.s32 @!p3 $0x0;
	_ =	swait.ge @!p3 [sflag:s8], $0x4000  }
.LBB2_65:
0x19d: {  	s24 =	sadd.s32 $0xFFFFFFFF, s24;
	[sflag:s8] =	ssyncset.done @!p3 $0x0;
	s23 =	sadd.s32 $0x1, s23  }
0x19e: {  	p2 =	sne.s32 s24, $0x0;
	[sflag:s8] =	ssyncadd.s32 @!p3 $0xFFFFC000  }
0x19f: {  	v16 =	vld [tilespmem:s23+$0x0];
	_ =	sdelay $0x4  }
0x1a0: {  	(v2sf) =	vpush v16, $0x0;
	_ =	sdelay $0xe  }
0x1a1: {  	s8 =	spop (v2sf)  }
0x1a2: {  	s10 =	sshra.s32 s8, $0xE;
	s8 =	sand.u32 $0x3FFF, s8  }
0x1a3: {  	s10 =	ssub.s32 s10, s0  }
0x1a4: {  	v16 =	vmov s10  }
0x1a5: {  	v17 =	vshll.u32 v16, $0x3  }
0x1a6: {  	v16 =	vand.u32 $0x7F, v16;
	v17 =	vand.u32 $0xFFFFFC00, v17  }
0x1a7: {  	v16 =	vor.u32 v16, v17  }
0x1a8: {  	v17 =	vadd.s32 v13, v16;
	v16 =	vadd.s32 v14, v16;
	_ =	sdelay $0x4  }
0x1a9: {  	v17 =	vld.idx.msk [tilespmem:v17+s18+$0x0], $0xffff  }
0x1aa: {  	v16 =	vld.idx.msk [tilespmem:v16+s18+$0x0], $0xffff  }
0x1ab: {  	v18 =	vmov s28;
	_ =	sdelay $0x1  }
0x1ac: {  	s10 =	sshll.u32 s28, $0x9  }
0x1ad: {  	s28 =	sadd.s32 $0x1, s28;
	s10 =	sshra.s32 s10, $0x2  }
.Ltmp34:
0x1ae: {  	p3 =	sne.s32 s28, $0x70;
	[tilespmem:s10+$0x19900] =	vst v17;
	v17 =	vmov s8;
	(pc) =	sbr.rel @p2 .LBB2_65-.Ltmp34, $4  }
0x1af: {  	s11 =	simm.s32 @!p3 $0x1D900;
	s25 =	simm.s32 @!p3 $0x19900;
	[tilespmem:s10+$0x19910] =	vst v16;
	s10 =	simm.s32 @!p3 $0x80  }
0x1b0: {  	s28 =	simm.s32 @!p3 $0x0;
	s8 =	simm.s32 @!p3 $0x3;
	[tilespmem:v18+s12+$0x0] =	vst.idx.msk $0x1, v17  }
0x1b1: {  	[hbm4b:s6+s10] =	stream.indirect.scatter @!p3 [tilespmem:s25], [sflag:$0x3], $0x80, s11, s10, $0xb8;
	[tilespmem:$0x1D980] =	vst v63  }
0x1b2: {  	_ =	swait.ge @!p3 [sflag:s8], $0x4000  }
.LBB2_66:
0x1b3: {  	[sflag:s8] =	ssyncset.done @!p3 $0x0  }
0x1b4: {  	[sflag:s8] =	ssyncadd.s32 @!p3 $0xFFFFC000  }
.LBB2_67:
0x1b5: {  	s0 =	sadd.s32 $0x2, s3;
	p2 =	seq.s32 s29, $0x1E  }
0x1b6: {  	s3 =	sshll.u32 @!p2 s0, $0xA;
	s8 =	simm.s32 @!p2 $0x2000  }
0x1b7: {  	s10 =	simm.s32 @!p2 $0x7A1400;
	s11 =	simm.s32 @!p2 $0x8900;
	s3 =	sadd.s32 @!p2 s3, s9  }
0x1b8: {  	[tilespmem:s11], [sflag:$0x1] =	stream.strided.gather @!p2 [hbm4b:s3+s8], $0x8000, s10, s8, $0x38;
	[tilespmem:$0x1D980] =	vst v63  }
0x1b9: {  	_ =	swait.ge [sflag:s21], $0x8000  }
0x1ba: {  	[sflag:s21] =	ssyncset.done $0x0  }
0x1bb: {  	[sflag:s21] =	ssyncadd.s32 $0xFFFF8000  }
0x1bc: {  	s3 =	sld [smem:s0+$0x0];
	_ =	sdelay $0x2  }
0x1bd: {  	p2 =	sle.s32 s3, s31  }
.Ltmp35:
0x1be: {  	_ = 	snop;
	(pc) =	sbr.rel @p2 .LBB2_71-.Ltmp35, $1  }
0x1bf: {  	_ =	sdelay $0x3  }
0x1c0: {  	s0 =	sshll.u32 s31, $0x2  }
0x1c1: {  	s0 =	sshra.s32 s0, $0x2  }
0x1c2: {  	s0 =	sadd.s32 $0x4880, s0  }
0x1c3: {  	v16 =	vld [tilespmem:s0+$0x0];
	_ =	sdelay $0x4  }
0x1c4: {  	(v2sf) =	vpush v16, $0x0;
	_ =	sdelay $0xe  }
0x1c5: {  	s8 =	spop (v2sf)  }
0x1c6: {  	s10 =	sshra.s32 s8, $0xE  }
0x1c7: {  	s10 =	ssub.s32 s10, s30  }
0x1c8: {  	v16 =	vmov s10  }
0x1c9: {  	v17 =	vshll.u32 v16, $0x3  }
0x1ca: {  	v16 =	vand.u32 $0x7F, v16;
	v17 =	vand.u32 $0xFFFFFC00, v17  }
0x1cb: {  	v16 =	vor.u32 v16, v17  }
0x1cc: {  	v17 =	vadd.s32 v13, v16  }
0x1cd: {  	v16 =	vadd.s32 v14, v16;
	_ =	sdelay $0x3  }
0x1ce: {  	v17 =	vld.idx.msk [tilespmem:v17+s19+$0x0], $0xffff  }
0x1cf: {  	v16 =	vld.idx.msk [tilespmem:v16+s19+$0x0], $0xffff  }
0x1d0: {  	v18 =	vmov s28  }
0x1d1: {  	s25 =	sshll.u32 s28, $0x9;
	s3 =	ssub.s32 s3, s31  }
0x1d2: {  	s3 =	sadd.s32 $0xFFFFFFFF, s3;
	s10 =	sshra.s32 s25, $0x2  }
0x1d3: {  	s28 =	sadd.s32 $0x1, s28;
	p2 =	sne.s32 s3, $0x0;
	s8 =	sand.u32 $0x3FFF, s8;
	[tilespmem:s10+$0x19900] =	vst v17  }
.Ltmp36:
0x1d4: {  	p3 =	sne.s32 s28, $0x70;
	v17 =	vmov s8;
	[tilespmem:s10+$0x19910] =	vst v16;
	(pc) =	sbr.rel @!p2 .LBB2_70-.Ltmp36, $4  }
0x1d5: {  	s11 =	simm.s32 @!p3 $0x19900;
	s8 =	simm.s32 @!p3 $0x80;
	s10 =	simm.s32 @!p3 $0x1D900;
	[tilespmem:v18+s12+$0x0] =	vst.idx.msk $0x1, v17  }
0x1d6: {  	[hbm4b:s6+s8] =	stream.indirect.scatter @!p3 [tilespmem:s11], [sflag:$0x3], $0x80, s10, s8, $0xb8;
	[tilespmem:$0x1D980] =	vst v63  }
0x1d7: {  	s8 =	simm.s32 @!p3 $0x3  }
0x1d8: {  	s28 =	simm.s32 @!p3 $0x0;
	_ =	swait.ge @!p3 [sflag:s8], $0x4000  }
.LBB2_69:
0x1d9: {  	s3 =	sadd.s32 $0xFFFFFFFF, s3;
	[sflag:s8] =	ssyncset.done @!p3 $0x0;
	s0 =	sadd.s32 $0x1, s0  }
0x1da: {  	p2 =	sne.s32 s3, $0x0;
	[sflag:s8] =	ssyncadd.s32 @!p3 $0xFFFFC000  }
0x1db: {  	v16 =	vld [tilespmem:s0+$0x0];
	_ =	sdelay $0x4  }
0x1dc: {  	(v2sf) =	vpush v16, $0x0;
	_ =	sdelay $0xe  }
0x1dd: {  	s8 =	spop (v2sf)  }
0x1de: {  	s10 =	sshra.s32 s8, $0xE;
	s8 =	sand.u32 $0x3FFF, s8  }
0x1df: {  	s10 =	ssub.s32 s10, s30  }
0x1e0: {  	v16 =	vmov s10  }
0x1e1: {  	v17 =	vshll.u32 v16, $0x3  }
0x1e2: {  	v16 =	vand.u32 $0x7F, v16;
	v17 =	vand.u32 $0xFFFFFC00, v17  }
0x1e3: {  	v16 =	vor.u32 v16, v17  }
0x1e4: {  	v17 =	vadd.s32 v13, v16;
	v16 =	vadd.s32 v14, v16;
	_ =	sdelay $0x4  }
0x1e5: {  	v17 =	vld.idx.msk [tilespmem:v17+s19+$0x0], $0xffff  }
0x1e6: {  	v16 =	vld.idx.msk [tilespmem:v16+s19+$0x0], $0xffff  }
0x1e7: {  	v18 =	vmov s28;
	_ =	sdelay $0x1  }
0x1e8: {  	s10 =	sshll.u32 s28, $0x9  }
0x1e9: {  	s28 =	sadd.s32 $0x1, s28;
	s10 =	sshra.s32 s10, $0x2  }
.Ltmp37:
0x1ea: {  	p3 =	sne.s32 s28, $0x70;
	[tilespmem:s10+$0x19900] =	vst v17;
	v17 =	vmov s8;
	(pc) =	sbr.rel @p2 .LBB2_69-.Ltmp37, $4  }
0x1eb: {  	s11 =	simm.s32 @!p3 $0x1D900;
	s23 =	simm.s32 @!p3 $0x19900;
	[tilespmem:s10+$0x19910] =	vst v16;
	s10 =	simm.s32 @!p3 $0x80  }
0x1ec: {  	s28 =	simm.s32 @!p3 $0x0;
	s8 =	simm.s32 @!p3 $0x3;
	[tilespmem:v18+s12+$0x0] =	vst.idx.msk $0x1, v17  }
0x1ed: {  	[hbm4b:s6+s10] =	stream.indirect.scatter @!p3 [tilespmem:s23], [sflag:$0x3], $0x80, s11, s10, $0xb8;
	[tilespmem:$0x1D980] =	vst v63  }
0x1ee: {  	_ =	swait.ge @!p3 [sflag:s8], $0x4000  }
.Ltmp38:
0x1ef: {  	_ = 	snop;
	(pc) =	sbr.rel .LBB2_70-.Ltmp38, $1  }
0x1f0: {  	_ =	sdelay $0x3  }
.LBB2_33:
0x1f1: {  	[sflag:s8] =	ssyncset.done @!p3 $0x0  }
0x1f2: {  	[sflag:s8] =	ssyncadd.s32 @!p3 $0xFFFFC000  }
.LBB2_34:
0x1f3: {  	s29 =	sadd.s32 $0x1, s29  }
0x1f4: {  	p2 =	sne.s32 s29, $0x1F  }
.Ltmp39:
0x1f5: {  	_ = 	snop;
	(pc) =	sbr.rel @!p2 .LBB2_35-.Ltmp39, $1  }
0x1f6: {  	_ =	sdelay $0x3  }
.LBB2_26:
0x1f7: {  	s0 =	sshll.u32 s29, $0xB  }
0x1f8: {  	s30 =	sor.u32 $0x400, s0  }
0x1f9: {  	s3 =	sadd.s32 s30, s7  }
0x1fa: {  	[tilespmem:s19], [sflag:$0x2] =	stream.strided.gather [hbm4b:s3+s16], $0x8000, s17, s16, $0x38;
	[tilespmem:$0x1D980] =	vst v63  }
0x1fb: {  	_ =	swait.ge [sflag:s20], $0x8000  }
0x1fc: {  	[sflag:s20] =	ssyncset.done $0x0  }
0x1fd: {  	s3 =	sshll.u32 s29, $0x1;
	[sflag:s20] =	ssyncadd.s32 $0xFFFF8000  }
0x1fe: {  	s8 =	sshllo.u32 s29, $0x1;
	s24 =	sld [smem:s3+$0x0]  }
0x1ff: {  	s31 =	sld [smem:s8+$0x0];
	_ =	sdelay $0x2  }
0x200: {  	p2 =	sle.s32 s31, s24  }
.Ltmp40:
0x201: {  	_ = 	snop;
	(pc) =	sbr.rel @p2 .LBB2_30-.Ltmp40, $1  }
0x202: {  	_ =	sdelay $0x3  }
0x203: {  	s8 =	sshll.u32 s24, $0x2  }
0x204: {  	s8 =	sshra.s32 s8, $0x2  }
0x205: {  	s23 =	sadd.s32 $0x4880, s8  }
0x206: {  	v16 =	vld [tilespmem:s23+$0x0];
	_ =	sdelay $0x4  }
0x207: {  	(v2sf) =	vpush v16, $0x0;
	_ =	sdelay $0xe  }
0x208: {  	s8 =	spop (v2sf)  }
0x209: {  	s10 =	sshra.s32 s8, $0xE  }
0x20a: {  	s10 =	ssub.s32 s10, s0  }
0x20b: {  	v16 =	vmov s10  }
0x20c: {  	v17 =	vshll.u32 v16, $0x3  }
0x20d: {  	v16 =	vand.u32 $0x7F, v16;
	v17 =	vand.u32 $0xFFFFFC00, v17  }
0x20e: {  	v16 =	vor.u32 v16, v17  }
0x20f: {  	v17 =	vadd.s32 v13, v16  }
0x210: {  	v16 =	vadd.s32 v14, v16;
	_ =	sdelay $0x3  }
0x211: {  	v17 =	vld.idx.msk [tilespmem:v17+s18+$0x0], $0xffff  }
0x212: {  	v16 =	vld.idx.msk [tilespmem:v16+s18+$0x0], $0xffff  }
0x213: {  	v18 =	vmov s28  }
0x214: {  	s11 =	sshll.u32 s28, $0x9;
	s25 =	ssub.s32 s31, s24  }
0x215: {  	s24 =	sadd.s32 $0xFFFFFFFF, s25;
	s10 =	sshra.s32 s11, $0x2  }
0x216: {  	s28 =	sadd.s32 $0x1, s28;
	p2 =	sne.s32 s24, $0x0;
	s8 =	sand.u32 $0x3FFF, s8;
	[tilespmem:s10+$0x19900] =	vst v17  }
.Ltmp41:
0x217: {  	p3 =	sne.s32 s28, $0x70;
	v17 =	vmov s8;
	[tilespmem:s10+$0x19910] =	vst v16;
	(pc) =	sbr.rel @!p2 .LBB2_29-.Ltmp41, $4  }
0x218: {  	s11 =	simm.s32 @!p3 $0x19900;
	s8 =	simm.s32 @!p3 $0x80;
	s10 =	simm.s32 @!p3 $0x1D900;
	[tilespmem:v18+s12+$0x0] =	vst.idx.msk $0x1, v17  }
0x219: {  	[hbm4b:s5+s8] =	stream.indirect.scatter @!p3 [tilespmem:s11], [sflag:$0x3], $0x80, s10, s8, $0xb8;
	[tilespmem:$0x1D980] =	vst v63  }
0x21a: {  	s8 =	simm.s32 @!p3 $0x3  }
0x21b: {  	s28 =	simm.s32 @!p3 $0x0;
	_ =	swait.ge @!p3 [sflag:s8], $0x4000  }
.LBB2_28:
0x21c: {  	s24 =	sadd.s32 $0xFFFFFFFF, s24;
	[sflag:s8] =	ssyncset.done @!p3 $0x0;
	s23 =	sadd.s32 $0x1, s23  }
0x21d: {  	p2 =	sne.s32 s24, $0x0;
	[sflag:s8] =	ssyncadd.s32 @!p3 $0xFFFFC000  }
0x21e: {  	v16 =	vld [tilespmem:s23+$0x0];
	_ =	sdelay $0x4  }
0x21f: {  	(v2sf) =	vpush v16, $0x0;
	_ =	sdelay $0xe  }
0x220: {  	s8 =	spop (v2sf)  }
0x221: {  	s10 =	sshra.s32 s8, $0xE;
	s8 =	sand.u32 $0x3FFF, s8  }
0x222: {  	s10 =	ssub.s32 s10, s0  }
0x223: {  	v16 =	vmov s10  }
0x224: {  	v17 =	vshll.u32 v16, $0x3  }
0x225: {  	v16 =	vand.u32 $0x7F, v16;
	v17 =	vand.u32 $0xFFFFFC00, v17  }
0x226: {  	v16 =	vor.u32 v16, v17  }
0x227: {  	v17 =	vadd.s32 v13, v16;
	v16 =	vadd.s32 v14, v16;
	_ =	sdelay $0x4  }
0x228: {  	v17 =	vld.idx.msk [tilespmem:v17+s18+$0x0], $0xffff  }
0x229: {  	v16 =	vld.idx.msk [tilespmem:v16+s18+$0x0], $0xffff  }
0x22a: {  	v18 =	vmov s28;
	_ =	sdelay $0x1  }
0x22b: {  	s10 =	sshll.u32 s28, $0x9  }
0x22c: {  	s28 =	sadd.s32 $0x1, s28;
	s10 =	sshra.s32 s10, $0x2  }
.Ltmp42:
0x22d: {  	p3 =	sne.s32 s28, $0x70;
	[tilespmem:s10+$0x19900] =	vst v17;
	v17 =	vmov s8;
	(pc) =	sbr.rel @p2 .LBB2_28-.Ltmp42, $4  }
0x22e: {  	s11 =	simm.s32 @!p3 $0x1D900;
	s25 =	simm.s32 @!p3 $0x19900;
	[tilespmem:s10+$0x19910] =	vst v16;
	s10 =	simm.s32 @!p3 $0x80  }
0x22f: {  	s28 =	simm.s32 @!p3 $0x0;
	s8 =	simm.s32 @!p3 $0x3;
	[tilespmem:v18+s12+$0x0] =	vst.idx.msk $0x1, v17  }
0x230: {  	[hbm4b:s5+s10] =	stream.indirect.scatter @!p3 [tilespmem:s25], [sflag:$0x3], $0x80, s11, s10, $0xb8;
	[tilespmem:$0x1D980] =	vst v63  }
0x231: {  	_ =	swait.ge @!p3 [sflag:s8], $0x4000  }
.LBB2_29:
0x232: {  	[sflag:s8] =	ssyncset.done @!p3 $0x0  }
0x233: {  	[sflag:s8] =	ssyncadd.s32 @!p3 $0xFFFFC000  }
.LBB2_30:
0x234: {  	s0 =	sadd.s32 $0x2, s3;
	p2 =	seq.s32 s29, $0x1E  }
0x235: {  	s3 =	sshll.u32 @!p2 s0, $0xA;
	s8 =	simm.s32 @!p2 $0x2000  }
0x236: {  	s10 =	simm.s32 @!p2 $0x7A1400;
	s11 =	simm.s32 @!p2 $0x8900;
	s3 =	sadd.s32 @!p2 s3, s7  }
0x237: {  	[tilespmem:s11], [sflag:$0x1] =	stream.strided.gather @!p2 [hbm4b:s3+s8], $0x8000, s10, s8, $0x38;
	[tilespmem:$0x1D980] =	vst v63  }
0x238: {  	_ =	swait.ge [sflag:s21], $0x8000  }
0x239: {  	[sflag:s21] =	ssyncset.done $0x0  }
0x23a: {  	[sflag:s21] =	ssyncadd.s32 $0xFFFF8000  }
0x23b: {  	s3 =	sld [smem:s0+$0x0];
	_ =	sdelay $0x2  }
0x23c: {  	p2 =	sle.s32 s3, s31  }
.Ltmp43:
0x23d: {  	_ = 	snop;
	(pc) =	sbr.rel @p2 .LBB2_34-.Ltmp43, $1  }
0x23e: {  	_ =	sdelay $0x3  }
0x23f: {  	s0 =	sshll.u32 s31, $0x2  }
0x240: {  	s0 =	sshra.s32 s0, $0x2  }
0x241: {  	s0 =	sadd.s32 $0x4880, s0  }
0x242: {  	v16 =	vld [tilespmem:s0+$0x0];
	_ =	sdelay $0x4  }
0x243: {  	(v2sf) =	vpush v16, $0x0;
	_ =	sdelay $0xe  }
0x244: {  	s8 =	spop (v2sf)  }
0x245: {  	s10 =	sshra.s32 s8, $0xE  }
0x246: {  	s10 =	ssub.s32 s10, s30  }
0x247: {  	v16 =	vmov s10  }
0x248: {  	v17 =	vshll.u32 v16, $0x3  }
0x249: {  	v16 =	vand.u32 $0x7F, v16;
	v17 =	vand.u32 $0xFFFFFC00, v17  }
0x24a: {  	v16 =	vor.u32 v16, v17  }
0x24b: {  	v17 =	vadd.s32 v13, v16  }
0x24c: {  	v16 =	vadd.s32 v14, v16;
	_ =	sdelay $0x3  }
0x24d: {  	v17 =	vld.idx.msk [tilespmem:v17+s19+$0x0], $0xffff  }
0x24e: {  	v16 =	vld.idx.msk [tilespmem:v16+s19+$0x0], $0xffff  }
0x24f: {  	v18 =	vmov s28  }
0x250: {  	s25 =	sshll.u32 s28, $0x9;
	s3 =	ssub.s32 s3, s31  }
0x251: {  	s3 =	sadd.s32 $0xFFFFFFFF, s3;
	s10 =	sshra.s32 s25, $0x2  }
0x252: {  	s28 =	sadd.s32 $0x1, s28;
	p2 =	sne.s32 s3, $0x0;
	s8 =	sand.u32 $0x3FFF, s8;
	[tilespmem:s10+$0x19900] =	vst v17  }
.Ltmp44:
0x253: {  	p3 =	sne.s32 s28, $0x70;
	v17 =	vmov s8;
	[tilespmem:s10+$0x19910] =	vst v16;
	(pc) =	sbr.rel @!p2 .LBB2_33-.Ltmp44, $4  }
0x254: {  	s11 =	simm.s32 @!p3 $0x19900;
	s8 =	simm.s32 @!p3 $0x80;
	s10 =	simm.s32 @!p3 $0x1D900;
	[tilespmem:v18+s12+$0x0] =	vst.idx.msk $0x1, v17  }
0x255: {  	[hbm4b:s5+s8] =	stream.indirect.scatter @!p3 [tilespmem:s11], [sflag:$0x3], $0x80, s10, s8, $0xb8;
	[tilespmem:$0x1D980] =	vst v63  }
0x256: {  	s8 =	simm.s32 @!p3 $0x3  }
0x257: {  	s28 =	simm.s32 @!p3 $0x0;
	_ =	swait.ge @!p3 [sflag:s8], $0x4000  }
.LBB2_32:
0x258: {  	s3 =	sadd.s32 $0xFFFFFFFF, s3;
	[sflag:s8] =	ssyncset.done @!p3 $0x0;
	s0 =	sadd.s32 $0x1, s0  }
0x259: {  	p2 =	sne.s32 s3, $0x0;
	[sflag:s8] =	ssyncadd.s32 @!p3 $0xFFFFC000  }
0x25a: {  	v16 =	vld [tilespmem:s0+$0x0];
	_ =	sdelay $0x4  }
0x25b: {  	(v2sf) =	vpush v16, $0x0;
	_ =	sdelay $0xe  }
0x25c: {  	s8 =	spop (v2sf)  }
0x25d: {  	s10 =	sshra.s32 s8, $0xE;
	s8 =	sand.u32 $0x3FFF, s8  }
0x25e: {  	s10 =	ssub.s32 s10, s30  }
0x25f: {  	v16 =	vmov s10  }
0x260: {  	v17 =	vshll.u32 v16, $0x3  }
0x261: {  	v16 =	vand.u32 $0x7F, v16;
	v17 =	vand.u32 $0xFFFFFC00, v17  }
0x262: {  	v16 =	vor.u32 v16, v17  }
0x263: {  	v17 =	vadd.s32 v13, v16;
	v16 =	vadd.s32 v14, v16;
	_ =	sdelay $0x4  }
0x264: {  	v17 =	vld.idx.msk [tilespmem:v17+s19+$0x0], $0xffff  }
0x265: {  	v16 =	vld.idx.msk [tilespmem:v16+s19+$0x0], $0xffff  }
0x266: {  	v18 =	vmov s28;
	_ =	sdelay $0x1  }
0x267: {  	s10 =	sshll.u32 s28, $0x9  }
0x268: {  	s28 =	sadd.s32 $0x1, s28;
	s10 =	sshra.s32 s10, $0x2  }
.Ltmp45:
0x269: {  	p3 =	sne.s32 s28, $0x70;
	[tilespmem:s10+$0x19900] =	vst v17;
	v17 =	vmov s8;
	(pc) =	sbr.rel @p2 .LBB2_32-.Ltmp45, $4  }
0x26a: {  	s11 =	simm.s32 @!p3 $0x1D900;
	s23 =	simm.s32 @!p3 $0x19900;
	[tilespmem:s10+$0x19910] =	vst v16;
	s10 =	simm.s32 @!p3 $0x80  }
0x26b: {  	s28 =	simm.s32 @!p3 $0x0;
	s8 =	simm.s32 @!p3 $0x3;
	[tilespmem:v18+s12+$0x0] =	vst.idx.msk $0x1, v17  }
0x26c: {  	[hbm4b:s5+s10] =	stream.indirect.scatter @!p3 [tilespmem:s23], [sflag:$0x3], $0x80, s11, s10, $0xb8;
	[tilespmem:$0x1D980] =	vst v63  }
0x26d: {  	_ =	swait.ge @!p3 [sflag:s8], $0x4000  }
.Ltmp46:
0x26e: {  	_ = 	snop;
	(pc) =	sbr.rel .LBB2_33-.Ltmp46, $1  }
0x26f: {  	_ =	sdelay $0x3  }
.LBB2_72:
0x270: {  	s0 =	simm.s32 @!p1 $0x400  }
0x271: {  	s3 =	simm.s32 @!p1 $0x7A1400;
	s8 =	simm.s32 @!p1 $0x18900;
	s10 =	rddreg [dreg:$0x7]  }
0x272: {  	[tilespmem:s8], [sflag:$0x4] =	stream.strided.gather @!p1 [hbm4b:s10+s0], $0x1000, s3, s0, $0x38;
	[tilespmem:$0x1D980] =	vst v63  }
0x273: {  	s0 =	simm.s32 @!p1 $0x4  }
0x274: {  	_ =	swait.ge @!p1 [sflag:s0], $0x1000  }
0x275: {  	[sflag:s0] =	ssyncset.done @!p1 $0x0  }
0x276: {  	[sflag:s0] =	ssyncadd.s32 @!p1 $0xFFFFF000  }
0x277: {  	s3 =	sld [smem:$0x3E]  }
0x278: {  	s8 =	sld [smem:$0x3F];
	_ =	sdelay $0x2  }
0x279: {  	p2 =	sle.s32 s8, s3  }
.Ltmp47:
0x27a: {  	_ = 	snop;
	(pc) =	sbr.rel @p2 .LBB2_76-.Ltmp47, $2  }
0x27b: {  	_ =	sdelay $0x2  }
0x27c: {  	s0 =	smov.u32 s6  }
0x27d: {  	s0 =	sshll.u32 s3, $0x2  }
0x27e: {  	s0 =	sshra.s32 s0, $0x2  }
0x27f: {  	s0 =	sadd.s32 $0x4880, s0  }
0x280: {  	v16 =	vld [tilespmem:s0+$0x0];
	_ =	sdelay $0x4  }
0x281: {  	(v2sf) =	vpush v16, $0x0;
	_ =	sdelay $0xe  }
0x282: {  	s10 =	spop (v2sf)  }
0x283: {  	s11 =	sshra.s32 s10, $0xE  }
0x284: {  	s11 =	sadd.s32 $0xFFFF0800, s11  }
0x285: {  	v16 =	vadd.s32 s11, v12  }
0x286: {  	v17 =	vadd.s32 s11, v15;
	_ =	sdelay $0x3  }
0x287: {  	v16 =	vld.idx.msk [tilespmem:v16+s22+$0x0], $0xffff  }
0x288: {  	v17 =	vld.idx.msk [tilespmem:v17+s22+$0x0], $0xffff  }
0x289: {  	v18 =	vmov s28  }
0x28a: {  	s31 =	sshll.u32 s28, $0x9;
	s8 =	ssub.s32 s8, s3  }
0x28b: {  	s23 =	sadd.s32 $0xFFFFFFFF, s8;
	s11 =	sshra.s32 s31, $0x2  }
0x28c: {  	s3 =	sadd.s32 $0x1, s28;
	p2 =	sne.s32 s23, $0x0;
	s10 =	sand.u32 $0x3FFF, s10;
	[tilespmem:s11+$0x19900] =	vst v16  }
.Ltmp48:
0x28d: {  	p3 =	sne.s32 s3, $0x70;
	v16 =	vmov s10;
	[tilespmem:s11+$0x19910] =	vst v17;
	(pc) =	sbr.rel @!p2 .LBB2_75-.Ltmp48, $4  }
0x28e: {  	s8 =	simm.s32 @!p3 $0x80;
	s10 =	simm.s32 @!p3 $0x1D900;
	s11 =	simm.s32 @!p3 $0x19900;
	[tilespmem:v18+s12+$0x0] =	vst.idx.msk $0x1, v16  }
0x28f: {  	[hbm4b:s6+s8] =	stream.indirect.scatter @!p3 [tilespmem:s11], [sflag:$0x3], $0x80, s10, s8, $0xb8;
	[tilespmem:$0x1D980] =	vst v63  }
0x290: {  	s8 =	simm.s32 @!p3 $0x3  }
0x291: {  	s3 =	simm.s32 @!p3 $0x0;
	_ =	swait.ge @!p3 [sflag:s8], $0x4000  }
.LBB2_74:
0x292: {  	s23 =	sadd.s32 $0xFFFFFFFF, s23;
	[sflag:s8] =	ssyncset.done @!p3 $0x0;
	s0 =	sadd.s32 $0x1, s0  }
0x293: {  	p2 =	sne.s32 s23, $0x0;
	[sflag:s8] =	ssyncadd.s32 @!p3 $0xFFFFC000  }
0x294: {  	v16 =	vld [tilespmem:s0+$0x0];
	_ =	sdelay $0x4  }
0x295: {  	(v2sf) =	vpush v16, $0x0;
	_ =	sdelay $0xe  }
0x296: {  	s8 =	spop (v2sf)  }
0x297: {  	s10 =	sshra.s32 s8, $0xE;
	s8 =	sand.u32 $0x3FFF, s8  }
0x298: {  	s10 =	sadd.s32 $0xFFFF0800, s10  }
0x299: {  	v16 =	vadd.s32 s10, v12;
	v17 =	vadd.s32 s10, v15;
	_ =	sdelay $0x4  }
0x29a: {  	v16 =	vld.idx.msk [tilespmem:v16+s22+$0x0], $0xffff  }
0x29b: {  	v17 =	vld.idx.msk [tilespmem:v17+s22+$0x0], $0xffff  }
0x29c: {  	v18 =	vmov s3;
	_ =	sdelay $0x1  }
0x29d: {  	s10 =	sshll.u32 s3, $0x9  }
0x29e: {  	s3 =	sadd.s32 $0x1, s3;
	s10 =	sshra.s32 s10, $0x2  }
.Ltmp49:
0x29f: {  	p3 =	sne.s32 s3, $0x70;
	[tilespmem:s10+$0x19900] =	vst v16;
	v16 =	vmov s8;
	(pc) =	sbr.rel @p2 .LBB2_74-.Ltmp49, $4  }
0x2a0: {  	s11 =	simm.s32 @!p3 $0x1D900;
	s24 =	simm.s32 @!p3 $0x19900;
	[tilespmem:s10+$0x19910] =	vst v17;
	s10 =	simm.s32 @!p3 $0x80  }
0x2a1: {  	s3 =	simm.s32 @!p3 $0x0;
	s8 =	simm.s32 @!p3 $0x3;
	[tilespmem:v18+s12+$0x0] =	vst.idx.msk $0x1, v16  }
0x2a2: {  	[hbm4b:s6+s10] =	stream.indirect.scatter @!p3 [tilespmem:s24], [sflag:$0x3], $0x80, s11, s10, $0xb8;
	[tilespmem:$0x1D980] =	vst v63  }
0x2a3: {  	_ =	swait.ge @!p3 [sflag:s8], $0x4000  }
.Ltmp50:
0x2a4: {  	_ = 	snop;
	(pc) =	sbr.rel .LBB2_75-.Ltmp50, $1  }
0x2a5: {  	_ =	sdelay $0x3  }
.LBB2_35:
0x2a6: {  	s0 =	simm.s32 @!p1 $0x400  }
0x2a7: {  	s3 =	simm.s32 @!p1 $0x7A1400;
	s8 =	simm.s32 @!p1 $0x18900;
	s10 =	rddreg [dreg:$0x6]  }
0x2a8: {  	[tilespmem:s8], [sflag:$0x4] =	stream.strided.gather @!p1 [hbm4b:s10+s0], $0x1000, s3, s0, $0x38;
	[tilespmem:$0x1D980] =	vst v63  }
0x2a9: {  	s0 =	simm.s32 @!p1 $0x4  }
0x2aa: {  	_ =	swait.ge @!p1 [sflag:s0], $0x1000  }
0x2ab: {  	[sflag:s0] =	ssyncset.done @!p1 $0x0  }
0x2ac: {  	[sflag:s0] =	ssyncadd.s32 @!p1 $0xFFFFF000  }
0x2ad: {  	s3 =	sld [smem:$0x3E]  }
0x2ae: {  	s8 =	sld [smem:$0x3F];
	_ =	sdelay $0x2  }
0x2af: {  	p2 =	sle.s32 s8, s3  }
.Ltmp51:
0x2b0: {  	_ = 	snop;
	(pc) =	sbr.rel @p2 .LBB2_76-.Ltmp51, $2  }
0x2b1: {  	_ =	sdelay $0x2  }
0x2b2: {  	s0 =	smov.u32 s5  }
0x2b3: {  	s0 =	sshll.u32 s3, $0x2  }
0x2b4: {  	s0 =	sshra.s32 s0, $0x2  }
0x2b5: {  	s0 =	sadd.s32 $0x4880, s0  }
0x2b6: {  	v16 =	vld [tilespmem:s0+$0x0];
	_ =	sdelay $0x4  }
0x2b7: {  	(v2sf) =	vpush v16, $0x0;
	_ =	sdelay $0xe  }
0x2b8: {  	s10 =	spop (v2sf)  }
0x2b9: {  	s11 =	sshra.s32 s10, $0xE  }
0x2ba: {  	s11 =	sadd.s32 $0xFFFF0800, s11  }
0x2bb: {  	v16 =	vadd.s32 s11, v12  }
0x2bc: {  	v17 =	vadd.s32 s11, v15;
	_ =	sdelay $0x3  }
0x2bd: {  	v16 =	vld.idx.msk [tilespmem:v16+s22+$0x0], $0xffff  }
0x2be: {  	v17 =	vld.idx.msk [tilespmem:v17+s22+$0x0], $0xffff  }
0x2bf: {  	v18 =	vmov s28  }
0x2c0: {  	s31 =	sshll.u32 s28, $0x9;
	s8 =	ssub.s32 s8, s3  }
0x2c1: {  	s23 =	sadd.s32 $0xFFFFFFFF, s8;
	s11 =	sshra.s32 s31, $0x2  }
0x2c2: {  	s3 =	sadd.s32 $0x1, s28;
	p2 =	seq.s32 s23, $0x0;
	s10 =	sand.u32 $0x3FFF, s10;
	[tilespmem:s11+$0x19900] =	vst v16  }
.Ltmp52:
0x2c3: {  	p3 =	sne.s32 s3, $0x70;
	v16 =	vmov s10;
	[tilespmem:s11+$0x19910] =	vst v17;
	(pc) =	sbr.rel @p2 .LBB2_38-.Ltmp52, $4  }
0x2c4: {  	s8 =	simm.s32 @!p3 $0x80;
	s10 =	simm.s32 @!p3 $0x1D900;
	s11 =	simm.s32 @!p3 $0x19900;
	[tilespmem:v18+s12+$0x0] =	vst.idx.msk $0x1, v16  }
0x2c5: {  	[hbm4b:s5+s8] =	stream.indirect.scatter @!p3 [tilespmem:s11], [sflag:$0x3], $0x80, s10, s8, $0xb8;
	[tilespmem:$0x1D980] =	vst v63  }
0x2c6: {  	s8 =	simm.s32 @!p3 $0x3  }
0x2c7: {  	s3 =	simm.s32 @!p3 $0x0;
	_ =	swait.ge @!p3 [sflag:s8], $0x4000  }
.LBB2_37:
0x2c8: {  	s23 =	sadd.s32 $0xFFFFFFFF, s23;
	[sflag:s8] =	ssyncset.done @!p3 $0x0;
	s0 =	sadd.s32 $0x1, s0  }
0x2c9: {  	p2 =	seq.s32 s23, $0x0;
	[sflag:s8] =	ssyncadd.s32 @!p3 $0xFFFFC000  }
0x2ca: {  	v16 =	vld [tilespmem:s0+$0x0];
	_ =	sdelay $0x4  }
0x2cb: {  	(v2sf) =	vpush v16, $0x0;
	_ =	sdelay $0xe  }
0x2cc: {  	s8 =	spop (v2sf)  }
0x2cd: {  	s10 =	sshra.s32 s8, $0xE;
	s8 =	sand.u32 $0x3FFF, s8  }
0x2ce: {  	s10 =	sadd.s32 $0xFFFF0800, s10  }
0x2cf: {  	v16 =	vadd.s32 s10, v12;
	v17 =	vadd.s32 s10, v15;
	_ =	sdelay $0x4  }
0x2d0: {  	v16 =	vld.idx.msk [tilespmem:v16+s22+$0x0], $0xffff  }
0x2d1: {  	v17 =	vld.idx.msk [tilespmem:v17+s22+$0x0], $0xffff  }
0x2d2: {  	v18 =	vmov s3;
	_ =	sdelay $0x1  }
0x2d3: {  	s10 =	sshll.u32 s3, $0x9  }
0x2d4: {  	s3 =	sadd.s32 $0x1, s3;
	s10 =	sshra.s32 s10, $0x2  }
.Ltmp53:
0x2d5: {  	p3 =	sne.s32 s3, $0x70;
	[tilespmem:s10+$0x19900] =	vst v16;
	v16 =	vmov s8;
	(pc) =	sbr.rel @!p2 .LBB2_37-.Ltmp53, $4  }
0x2d6: {  	s11 =	simm.s32 @!p3 $0x1D900;
	s24 =	simm.s32 @!p3 $0x19900;
	[tilespmem:s10+$0x19910] =	vst v17;
	s10 =	simm.s32 @!p3 $0x80  }
0x2d7: {  	s3 =	simm.s32 @!p3 $0x0;
	s8 =	simm.s32 @!p3 $0x3;
	[tilespmem:v18+s12+$0x0] =	vst.idx.msk $0x1, v16  }
0x2d8: {  	[hbm4b:s5+s10] =	stream.indirect.scatter @!p3 [tilespmem:s24], [sflag:$0x3], $0x80, s11, s10, $0xb8;
	[tilespmem:$0x1D980] =	vst v63  }
0x2d9: {  	_ =	swait.ge @!p3 [sflag:s8], $0x4000  }
.LBB2_38:
.Ltmp54:
0x2da: {  	(pc) =	sbr.rel .LBB2_76-.Ltmp54, $3  }
0x2db: {  	_ =	sdelay $0x1  }
0x2dc: {  	[sflag:s8] =	ssyncset.done @!p3 $0x0  }
0x2dd: {  	s0 =	smov.u32 s5;
	[sflag:s8] =	ssyncadd.s32 @!p3 $0xFFFFC000  }
.LBB2_46:
.Ltmp55:
0x2de: {  	(pc) =	sbr.rel .LBB2_55-.Ltmp55, $2  }
0x2df: {  	_ =	sdelay $0x2  }
0x2e0: {  	_ = 	snop  }
.LBB2_9:
.Ltmp56:
0x2e1: {  	(pc) =	sbr.rel .LBB2_18-.Ltmp56, $2  }
0x2e2: {  	_ =	sdelay $0x2  }
0x2e3: {  	_ = 	snop  }
.LBB2_48:
.Ltmp57:
0x2e4: {  	(pc) =	sbr.rel .LBB2_55-.Ltmp57, $2  }
0x2e5: {  	_ =	sdelay $0x2  }
0x2e6: {  	_ = 	snop  }
.LBB2_11:
.Ltmp58:
0x2e7: {  	(pc) =	sbr.rel .LBB2_18-.Ltmp58, $2  }
0x2e8: {  	_ =	sdelay $0x2  }
0x2e9: {  	_ = 	snop  }
.LBB2_50:
.Ltmp59:
0x2ea: {  	(pc) =	sbr.rel .LBB2_55-.Ltmp59, $2  }
0x2eb: {  	_ =	sdelay $0x3  }
0x2ec: {  	_ = 	snop  }
.LBB2_13:
.Ltmp60:
0x2ed: {  	(pc) =	sbr.rel .LBB2_18-.Ltmp60, $2  }
0x2ee: {  	_ =	sdelay $0x3  }
0x2ef: {  	_ = 	snop  }
.LBB2_52:
.Ltmp61:
0x2f0: {  	(pc) =	sbr.rel .LBB2_55-.Ltmp61, $1  }
0x2f1: {  	_ =	sdelay $0x3  }
.LBB2_15:
.Ltmp62:
0x2f2: {  	(pc) =	sbr.rel .LBB2_18-.Ltmp62, $1  }
0x2f3: {  	_ =	sdelay $0x3  }
.LBB2_77:
0x2f4: {  	_ =	sfence.sel $0x180000  }
0x2f5: {  	[bflag:$0x0] =	sbarrier.arrive $0xFFFF  }
0x2f6: {  	_ =	strace $0x90000047  }
0x2f7: {  	s0 =	stileid.u32;
	[bflag:$0x2] =	sbarrier.arrive $0xFFFF  }
0x2f8: {  	p0 =	sne.s32 s0, $0x0;
	s0 =	rddreg [dreg:$0x5]  }
0x2f9: {  	s0 =	sadd.s32 @!p0 $0x100000, s0  }
0x2fa: {  	[sflag:s0] =	ssyncadd.tile.s32 @!p0 $0x1;
	_ =	shalt  }
.Lfunc_end2:
_tile_overlayer_lowered:
.L_overlay_start_2:
0x2fb: {  	(tag) =	ssettag $0x2  }
0x2fc: {  	s0 =	rddreg [dreg:$0x0];
	s2 =	stileid.u32  }
0x2fd: {  	s1 =	rddreg [dreg:$0x1];
	p0 =	sne.s32 s2, $0x0  }
0x2fe: {  	s3 =	rddreg [dreg:$0x2];
	[bflag:$0x3] =	sbarrier.arrive $0xFFFF;
	s2 =	simm.s32 @!p0 $0x1C04  }
0x2ff: {  	[timem:s3], [sflag:s2] =	dma.local @!p0 [hbm:s0], s1  }
0x300: {  	s0 =	simm.s32 @!p0 $0x4  }
0x301: {  	_ =	swait.ge @!p0 [sflag:s0], s1  }
0x302: {  	s1 =	ssub.s32 @!p0 $0x0, s1;
	[sflag:s0] =	ssyncset.done @!p0 $0x0  }
0x303: {  	[sflag:s0] =	ssyncadd.s32 @!p0 s1  }
0x304: {  	[bflag:$0x3] =	sbarrier.arrive $0xFFFF  }
0x305: {  	_ =	shalt  }

</sc_bundles>
